<compile_context>
chip_gen: v7x
topology: tpu7x:2x2x1
jax: 0.10.2.dev20260603
libtpu: 0.0.44.dev20260713+nightly
codegen_flags: <defaults>
</compile_context>

<pallas_src>
import functools

import jax
import jax.numpy as jnp
from jax import lax
from jax.experimental import pallas as pl
from jax.experimental.pallas import tpu as pltpu
from jax.experimental.pallas import tpu_sc as plsc

_N, _D, _E, _K, _C, _H1, _H2 = 2048, 1024, 8, 2, 50, 512, 256
_T = 128
_NT = (_N * _K + _E * (_T - 1)) // _T + 1
_S = _NT * _T
_CP = 128
_NCHUNK = _N // _T


def _router_body(x_ref, wr_ref, br_ref,
                 probs_ref, xbf_ref, topi_ref, topw_ref, pos_ref, eoft_ref,
                 carry_ref, tops_s, ranks_s):
    i = pl.program_id(0)

    @pl.when(i == 0)
    def _init():
        carry_ref[...] = jnp.zeros_like(carry_ref)

    @pl.when(i < _NCHUNK)
    def _chunk():
        x = x_ref[...]
        scores = jnp.dot(x, wr_ref[...], preferred_element_type=jnp.float32)
        scores = scores + br_ref[...]
        m = jnp.max(scores, axis=1, keepdims=True)
        ex = jnp.exp(scores - m)
        s = jnp.sum(ex, axis=1, keepdims=True)
        probs = ex / s
        iota = lax.broadcasted_iota(jnp.int32, probs.shape, 1)
        m1 = jnp.max(probs, axis=1, keepdims=True)
        i1 = jnp.min(jnp.where(probs == m1, iota, _E), axis=1, keepdims=True)
        pm = jnp.where(iota == i1, -1.0, probs)
        m2 = jnp.max(pm, axis=1, keepdims=True)
        i2 = jnp.min(jnp.where(pm == m2, iota, _E), axis=1, keepdims=True)
        probs_ref[...] = probs
        u = lax.bitcast_convert_type(x, jnp.int32)
        lsb = lax.shift_right_logical(u, 16) & 1
        rb = lax.shift_right_logical(u + 0x7FFF + lsb, 16) & 0xFFFF
        lo = rb[:, :_D // 2]
        hi = rb[:, _D // 2:]
        xbf_ref[...] = lo | lax.shift_left(hi, 16)
        topi_ref[...] = jnp.concatenate([i1, i2], axis=1)
        topw_ref[...] = jnp.concatenate([m1, m2], axis=1) * (1.0 / _K)

        onehot0 = (iota == i1).astype(jnp.float32)
        onehot1 = (iota == i2).astype(jnp.float32)
        r_io = lax.broadcasted_iota(jnp.int32, (_T, _T), 0)
        c_io = lax.broadcasted_iota(jnp.int32, (_T, _T), 1)
        ltri = (r_io > c_io).astype(jnp.float32)
        excl0 = jnp.dot(ltri, onehot0, preferred_element_type=jnp.float32)
        excl1 = jnp.dot(ltri, onehot1, preferred_element_type=jnp.float32)
        carry = carry_ref[...]
        tot0 = jnp.sum(onehot0, axis=0, keepdims=True)
        tot1 = jnp.sum(onehot1, axis=0, keepdims=True)
        rank0 = jnp.sum((excl0 + carry) * onehot0, axis=1, keepdims=True)
        rank1 = jnp.sum((excl1 + carry + tot0) * onehot1, axis=1,
                        keepdims=True)
        carry_ref[...] = carry + tot0 + tot1
        ranks_s[pl.ds(i * _T, _T), :] = jnp.concatenate([rank0, rank1], axis=1)
        tops_s[pl.ds(i * _T, _T), :] = jnp.concatenate([i1, i2], axis=1)

    @pl.when(i == _NCHUNK)
    def _finalize():
        counts = carry_ref[...]
        padded = jnp.floor((counts + (_T - 1)) * (1.0 / _T)) * _T
        r8 = lax.broadcasted_iota(jnp.int32, (_E, _E), 0)
        c8 = lax.broadcasted_iota(jnp.int32, (_E, _E), 1)
        utri = (r8 < c8).astype(jnp.float32)
        starts = jnp.dot(padded, utri, preferred_element_type=jnp.float32)
        ends = starts + padded
        tops = tops_s[...]
        ranks = ranks_s[...]
        base = jnp.zeros_like(ranks)
        for e in range(_E):
            base = base + jnp.where(tops == e, starts[0:1, e:e + 1], 0.0)
        pos_ref[...] = (base + ranks).astype(jnp.int32)
        t_io = lax.broadcasted_iota(jnp.int32, (1, _NT), 1).astype(jnp.float32)
        t_lo = t_io * _T
        eoft = jnp.zeros((1, _NT), jnp.float32)
        for e in range(_E):
            eoft = eoft + jnp.where(t_lo >= ends[0:1, e:e + 1], 1.0, 0.0)
        eoft_ref[...] = jnp.minimum(eoft, _E - 1).astype(jnp.int32)


def _router(x, Wr, br):
    cmap = lambda i: (jnp.minimum(i, _NCHUNK - 1), 0)
    zmap = lambda i: (0, 0)
    return pl.pallas_call(
        _router_body,
        grid=(_NCHUNK + 1,),
        in_specs=[
            pl.BlockSpec((_T, _D), cmap),
            pl.BlockSpec((_D, _E), zmap),
            pl.BlockSpec((1, _E), zmap),
        ],
        out_specs=[
            pl.BlockSpec((_T, _E), cmap),
            pl.BlockSpec((_T, _D // 2), cmap),
            pl.BlockSpec((_T, _K), cmap),
            pl.BlockSpec((_T, _K), cmap),
            pl.BlockSpec((_N, _K), zmap),
            pl.BlockSpec((1, _NT), zmap),
        ],
        out_shape=[
            jax.ShapeDtypeStruct((_N, _E), jnp.float32),
            jax.ShapeDtypeStruct((_N, _D // 2), jnp.int32),
            jax.ShapeDtypeStruct((_N, _K), jnp.int32),
            jax.ShapeDtypeStruct((_N, _K), jnp.float32),
            jax.ShapeDtypeStruct((_N, _K), jnp.int32),
            jax.ShapeDtypeStruct((1, _NT), jnp.int32),
        ],
        scratch_shapes=[
            pltpu.VMEM((1, _E), jnp.float32),
            pltpu.VMEM((_N, _K), jnp.int32),
            pltpu.VMEM((_N, _K), jnp.float32),
        ],
        compiler_params=pltpu.CompilerParams(
            dimension_semantics=("arbitrary",),
        ),
    )(x, Wr, br.reshape(1, _E))


def _expert_body(eoft_ref, xs_ref, w1_ref, b1_ref, w2_ref, b2_ref, w3_ref,
                 b3_ref, os_ref):
    pk = xs_ref[...]
    xlo = lax.bitcast_convert_type(lax.shift_left(pk, 16),
                                   jnp.float32).astype(jnp.bfloat16)
    xhi = lax.bitcast_convert_type(pk & jnp.int32(-65536),
                                   jnp.float32).astype(jnp.bfloat16)
    xb = jnp.concatenate([xlo, xhi], axis=1)
    h1 = jnp.maximum(
        jnp.dot(xb, w1_ref[0].astype(jnp.bfloat16),
                preferred_element_type=jnp.float32) + b1_ref[0], 0.0)
    h2 = jnp.maximum(
        jnp.dot(h1.astype(jnp.bfloat16), w2_ref[0].astype(jnp.bfloat16),
                preferred_element_type=jnp.float32) + b2_ref[0], 0.0)
    os_ref[...] = jnp.dot(h2.astype(jnp.bfloat16), w3_ref[0],
                          preferred_element_type=jnp.float32) + b3_ref[0]


def _experts(eoft, x_sorted, W1, b1, W2, b2, W3p, b3p):
    emap = lambda i, er: (er[i], 0, 0)
    return pl.pallas_call(
        _expert_body,
        grid_spec=pltpu.PrefetchScalarGridSpec(
            num_scalar_prefetch=1,
            grid=(_NT,),
            in_specs=[
                pl.BlockSpec((_T, _D // 2), lambda i, er: (i, 0)),
                pl.BlockSpec((1, _D, _H1), emap),
                pl.BlockSpec((1, 1, _H1), emap),
                pl.BlockSpec((1, _H1, _H2), emap),
                pl.BlockSpec((1, 1, _H2), emap),
                pl.BlockSpec((1, _H2, _CP), emap),
                pl.BlockSpec((1, 1, _CP), emap),
            ],
            out_specs=pl.BlockSpec((_T, _CP), lambda i, er: (i, 0)),
        ),
        out_shape=jax.ShapeDtypeStruct((_S, _CP), jnp.float32),
        compiler_params=pltpu.CompilerParams(
            dimension_semantics=("arbitrary",),
        ),
    )(eoft, x_sorted, W1, b1, W2, b2, W3p, b3p)


_sc_mesh = plsc.VectorSubcoreMesh(core_axis_name="c", subcore_axis_name="s")


def _dispatch_body(xbf_hbm, posf_hbm, xs_hbm, tok_v, pos_v, rows_v, sem):
    w = lax.axis_index("s") * 2 + lax.axis_index("c")
    base = w * _T
    io16 = lax.broadcasted_iota(jnp.int32, (16,), 0)
    for j in range(_T // 16):
        tok_v[pl.ds(j * 16, 16)] = lax.shift_right_logical(
            base + j * 16 + io16, 1)
    pltpu.sync_copy(posf_hbm.at[pl.ds(base, _T)], pos_v)
    pltpu.async_copy(xbf_hbm.at[tok_v], rows_v, sem).wait()
    pltpu.async_copy(rows_v, xs_hbm.at[pos_v], sem).wait()


_dispatch = pl.kernel(
    _dispatch_body,
    out_type=jax.ShapeDtypeStruct((_S, _D // 2), jnp.int32),
    mesh=_sc_mesh,
    scratch_types=[
        pltpu.VMEM((_T,), jnp.int32),
        pltpu.VMEM((_T,), jnp.int32),
        pltpu.VMEM((_T, _D // 2), jnp.int32),
        pltpu.SemaphoreType.DMA,
    ],
)


def _combine_body(os_hbm, posf_hbm, wf_hbm, outp_hbm, pos_v, w_v, rows_v,
                  out_v, sem):
    w = lax.axis_index("s") * 2 + lax.axis_index("c")
    ntok = _N // 32
    base2 = w * 2 * ntok
    pltpu.sync_copy(posf_hbm.at[pl.ds(base2, 2 * ntok)], pos_v)
    pltpu.sync_copy(wf_hbm.at[pl.ds(base2, 2 * ntok)], w_v)
    pltpu.async_copy(os_hbm.at[pos_v], rows_v, sem).wait()
    for g in range(ntok // 8):
        wvec = w_v[pl.ds(g * 16, 16)]
        for li in range(8):
            i = g * 8 + li
            w0 = wvec[2 * li]
            w1 = wvec[2 * li + 1]
            for c in range(_CP // 16):
                out_v[i, pl.ds(c * 16, 16)] = (
                    rows_v[2 * i, pl.ds(c * 16, 16)] * w0
                    + rows_v[2 * i + 1, pl.ds(c * 16, 16)] * w1)
    pltpu.sync_copy(out_v, outp_hbm.at[pl.ds(w * ntok, ntok)])


_combine = pl.kernel(
    _combine_body,
    out_type=jax.ShapeDtypeStruct((_N, _CP), jnp.float32),
    mesh=_sc_mesh,
    scratch_types=[
        pltpu.VMEM((2 * (_N // 32),), jnp.int32),
        pltpu.VMEM((2 * (_N // 32),), jnp.float32),
        pltpu.VMEM((2 * (_N // 32), _CP), jnp.float32),
        pltpu.VMEM((_N // 32, _CP), jnp.float32),
        pltpu.SemaphoreType.DMA,
    ],
)


def kernel(x, Wr, br, W1, b1, W2, b2, W3, b3):
    probs, xbf, topi, topw, pos, eoft = _router(x, Wr, br)
    posf = pos.reshape(_N * _K)
    x_sorted = _dispatch(xbf, posf)

    W3p = jnp.pad(W3, ((0, 0), (0, 0), (0, _CP - _C))).astype(jnp.bfloat16)
    b3p = jnp.pad(b3, ((0, 0), (0, _CP - _C)))
    out_sorted = _experts(eoft.reshape(_NT), x_sorted, W1,
                          b1.reshape(_E, 1, _H1), W2, b2.reshape(_E, 1, _H2),
                          W3p, b3p.reshape(_E, 1, _CP))

    return (out_sorted[:_N, :_C], probs)
    outp = _combine(out_sorted, posf, topw.reshape(_N * _K))
    return (outp[:, :_C], probs)

# --- scband reference (transcript-rebuilt; emitter-appended) ---
"""Pipeline reference for scband-mo-emodel-20796231647464 (READ-ONLY COPY).

The authoritative reference and input builder live on the scoring server;
editing this copy changes nothing except your own understanding.
"""

import jax, jax.numpy as jnp
import numpy as np

N = 2048
D = 1024
E = 8
K = 2
C = 50
H1 = 512
H2 = 256


def setup_inputs(seed: int = 0) -> dict:
    key = jax.random.key(seed)
    ks = jax.random.split(key, 9)

    def init(k, shape, fan_in):
        return jax.random.normal(k, shape, dtype=jnp.float32) * (1.0 / np.sqrt(fan_in))

    x = jax.random.normal(ks[0], (N, D), dtype=jnp.float32)
    Wr = init(ks[1], (D, E), D)
    br = jnp.zeros((E,), dtype=jnp.float32)
    W1 = init(ks[2], (E, D, H1), D)
    b1 = jnp.zeros((E, H1), dtype=jnp.float32)
    W2 = init(ks[3], (E, H1, H2), H1)
    b2 = jnp.zeros((E, H2), dtype=jnp.float32)
    W3 = init(ks[4], (E, H2, C), H2)
    b3 = jnp.zeros((E, C), dtype=jnp.float32)
    return {"x": x, "Wr": Wr, "br": br, "W1": W1, "b1": b1, "W2": W2, "b2": b2, "W3": W3, "b3": b3}


def reference(x, Wr, br, W1, b1, W2, b2, W3, b3):
    # Router
    router_scores = x @ Wr + br
    router_probs = jax.nn.softmax(router_scores, axis=1)
    topk_vals, topk_indices = jax.lax.top_k(router_probs, K)

    # Expert MLPs (ESCModel: Linear->ReLU->Dropout(eval)->Linear->ReLU->Dropout(eval)->Linear)
    h1 = jax.nn.relu(jnp.einsum('nd,edh->enh', x, W1) + b1[:, None, :])
    h2 = jax.nn.relu(jnp.einsum('enh,ehg->eng', h1, W2) + b2[:, None, :])
    expert_out = jnp.einsum('eng,egc->enc', h2, W3) + b3[:, None, :]  # [E, N, C]

    # Sparse combine: only top-k experts contribute per token, weighted by router prob
    combine = jnp.zeros((x.shape[0], E), dtype=x.dtype)
    combine = combine.at[jnp.arange(x.shape[0])[:, None], topk_indices].set(topk_vals)
    outputs = jnp.einsum('ne,enc->nc', combine, expert_out) / K
    return (outputs, router_probs)

if __name__ == "__main__":
    import jax
    _d = setup_inputs()
    print(jax.jit(kernel)(*tuple(_d.values())))

</pallas_src>

<mosaic_0001>
#map = affine_map<(d0, d1) -> (0, 0)>
#map1 = affine_map<(d0, d1) -> (0)>
module attributes {stable_mosaic.version = 14 : i64} {
  func.func @_dispatch_body(%arg0: i32, %arg1: i32, %arg2: memref<2048x512xi32, #tpu.memory_space<hbm>>, %arg3: memref<4096xi32, #tpu.memory_space<hbm>>, %arg4: memref<5120x512xi32, #tpu.memory_space<hbm>>, %arg5: memref<128xi32, #tpu.memory_space<vmem>>, %arg6: memref<128xi32, #tpu.memory_space<vmem>>, %arg7: memref<128x512xi32, #tpu.memory_space<vmem>>, %arg8: memref<!tpu.dma_semaphore, #tpu.memory_space<semaphore_mem>>) attributes {dimension_semantics = [#tpu.dimension_semantics<core_parallel>, #tpu.dimension_semantics<subcore_parallel>], iteration_bounds = array<i64: 2, 16>, scalar_prefetch = 0 : i64, scratch_operands = 4 : i64, tpu.core_type = #tpu.core_type<sc_vector_subcore>, window_params = [{transform_indices = #map}, {transform_indices = #map1}, {transform_indices = #map}]} {
    %mul3A = arith.constant 2 : i32
    %mul3A_0 = arith.muli %arg1, %mul3A : i32
    %add3A = arith.addi %mul3A_0, %arg0 : i32
    %mul3A_1 = arith.constant 128 : i32
    %mul3A_2 = arith.muli %add3A, %mul3A_1 : i32
    %iota3A = tpu.iota {dimensions = array<i32: 0>} : vector<16xi32>
    %add3A_3 = arith.constant 0 : i32
    %add3A_4 = arith.addi %mul3A_2, %add3A_3 : i32
    %add3A_5 = vector.broadcast %add3A_4 : i32 to vector<16xi32>
    %add3A_6 = arith.addi %add3A_5, %iota3A : vector<16xi32>
    %shift_right_logical3A = arith.constant 1 : i32
    %shift_right_logical3A_7 = vector.broadcast %shift_right_logical3A : i32 to vector<16xi32>
    %shift_right_logical3A_8 = arith.shrui %add3A_6, %shift_right_logical3A_7 : vector<16xi32>
    %swap3A = arith.constant 0 : index
    %swap3A_9 = tpu.vector_load %arg5[%swap3A] {strides = array<i32>} : memref<128xi32, #tpu.memory_space<vmem>>, vector<16xi32>,
    %swap3A_10 = vector.shape_cast %swap3A_9 : vector<16xi32> to vector<16xi32>
    %swap3A_11 = vector.shape_cast %shift_right_logical3A_8 : vector<16xi32> to vector<16xi32>
    tpu.vector_store %arg5[%swap3A], %swap3A_11 {strides = array<i32>} : memref<128xi32, #tpu.memory_space<vmem>>, vector<16xi32>,
    %add3A_12 = arith.constant 16 : i32
    %add3A_13 = arith.addi %mul3A_2, %add3A_12 : i32
    %add3A_14 = vector.broadcast %add3A_13 : i32 to vector<16xi32>
    %add3A_15 = arith.addi %add3A_14, %iota3A : vector<16xi32>
    %shift_right_logical3A_16 = arith.constant 1 : i32
    %shift_right_logical3A_17 = vector.broadcast %shift_right_logical3A_16 : i32 to vector<16xi32>
    %shift_right_logical3A_18 = arith.shrui %add3A_15, %shift_right_logical3A_17 : vector<16xi32>
    %swap3A_19 = arith.constant 16 : index
    %swap3A_20 = tpu.vector_load %arg5[%swap3A_19] {strides = array<i32>} : memref<128xi32, #tpu.memory_space<vmem>>, vector<16xi32>,
    %swap3A_21 = vector.shape_cast %swap3A_20 : vector<16xi32> to vector<16xi32>
    %swap3A_22 = vector.shape_cast %shift_right_logical3A_18 : vector<16xi32> to vector<16xi32>
    tpu.vector_store %arg5[%swap3A_19], %swap3A_22 {strides = array<i32>} : memref<128xi32, #tpu.memory_space<vmem>>, vector<16xi32>,
    %add3A_23 = arith.constant 32 : i32
    %add3A_24 = arith.addi %mul3A_2, %add3A_23 : i32
    %add3A_25 = vector.broadcast %add3A_24 : i32 to vector<16xi32>
    %add3A_26 = arith.addi %add3A_25, %iota3A : vector<16xi32>
    %shift_right_logical3A_27 = arith.constant 1 : i32
    %shift_right_logical3A_28 = vector.broadcast %shift_right_logical3A_27 : i32 to vector<16xi32>
    %shift_right_logical3A_29 = arith.shrui %add3A_26, %shift_right_logical3A_28 : vector<16xi32>
    %swap3A_30 = arith.constant 32 : index
    %swap3A_31 = tpu.vector_load %arg5[%swap3A_30] {strides = array<i32>} : memref<128xi32, #tpu.memory_space<vmem>>, vector<16xi32>,
    %swap3A_32 = vector.shape_cast %swap3A_31 : vector<16xi32> to vector<16xi32>
    %swap3A_33 = vector.shape_cast %shift_right_logical3A_29 : vector<16xi32> to vector<16xi32>
    tpu.vector_store %arg5[%swap3A_30], %swap3A_33 {strides = array<i32>} : memref<128xi32, #tpu.memory_space<vmem>>, vector<16xi32>,
    %add3A_34 = arith.constant 48 : i32
    %add3A_35 = arith.addi %mul3A_2, %add3A_34 : i32
    %add3A_36 = vector.broadcast %add3A_35 : i32 to vector<16xi32>
    %add3A_37 = arith.addi %add3A_36, %iota3A : vector<16xi32>
    %shift_right_logical3A_38 = arith.constant 1 : i32
    %shift_right_logical3A_39 = vector.broadcast %shift_right_logical3A_38 : i32 to vector<16xi32>
    %shift_right_logical3A_40 = arith.shrui %add3A_37, %shift_right_logical3A_39 : vector<16xi32>
    %swap3A_41 = arith.constant 48 : index
    %swap3A_42 = tpu.vector_load %arg5[%swap3A_41] {strides = array<i32>} : memref<128xi32, #tpu.memory_space<vmem>>, vector<16xi32>,
    %swap3A_43 = vector.shape_cast %swap3A_42 : vector<16xi32> to vector<16xi32>
    %swap3A_44 = vector.shape_cast %shift_right_logical3A_40 : vector<16xi32> to vector<16xi32>
    tpu.vector_store %arg5[%swap3A_41], %swap3A_44 {strides = array<i32>} : memref<128xi32, #tpu.memory_space<vmem>>, vector<16xi32>,
    %add3A_45 = arith.constant 64 : i32
    %add3A_46 = arith.addi %mul3A_2, %add3A_45 : i32
    %add3A_47 = vector.broadcast %add3A_46 : i32 to vector<16xi32>
    %add3A_48 = arith.addi %add3A_47, %iota3A : vector<16xi32>
    %shift_right_logical3A_49 = arith.constant 1 : i32
    %shift_right_logical3A_50 = vector.broadcast %shift_right_logical3A_49 : i32 to vector<16xi32>
    %shift_right_logical3A_51 = arith.shrui %add3A_48, %shift_right_logical3A_50 : vector<16xi32>
    %swap3A_52 = arith.constant 64 : index
    %swap3A_53 = tpu.vector_load %arg5[%swap3A_52] {strides = array<i32>} : memref<128xi32, #tpu.memory_space<vmem>>, vector<16xi32>,
    %swap3A_54 = vector.shape_cast %swap3A_53 : vector<16xi32> to vector<16xi32>
    %swap3A_55 = vector.shape_cast %shift_right_logical3A_51 : vector<16xi32> to vector<16xi32>
    tpu.vector_store %arg5[%swap3A_52], %swap3A_55 {strides = array<i32>} : memref<128xi32, #tpu.memory_space<vmem>>, vector<16xi32>,
    %add3A_56 = arith.constant 80 : i32
    %add3A_57 = arith.addi %mul3A_2, %add3A_56 : i32
    %add3A_58 = vector.broadcast %add3A_57 : i32 to vector<16xi32>
    %add3A_59 = arith.addi %add3A_58, %iota3A : vector<16xi32>
    %shift_right_logical3A_60 = arith.constant 1 : i32
    %shift_right_logical3A_61 = vector.broadcast %shift_right_logical3A_60 : i32 to vector<16xi32>
    %shift_right_logical3A_62 = arith.shrui %add3A_59, %shift_right_logical3A_61 : vector<16xi32>
    %swap3A_63 = arith.constant 80 : index
    %swap3A_64 = tpu.vector_load %arg5[%swap3A_63] {strides = array<i32>} : memref<128xi32, #tpu.memory_space<vmem>>, vector<16xi32>,
    %swap3A_65 = vector.shape_cast %swap3A_64 : vector<16xi32> to vector<16xi32>
    %swap3A_66 = vector.shape_cast %shift_right_logical3A_62 : vector<16xi32> to vector<16xi32>
    tpu.vector_store %arg5[%swap3A_63], %swap3A_66 {strides = array<i32>} : memref<128xi32, #tpu.memory_space<vmem>>, vector<16xi32>,
    %add3A_67 = arith.constant 96 : i32
    %add3A_68 = arith.addi %mul3A_2, %add3A_67 : i32
    %add3A_69 = vector.broadcast %add3A_68 : i32 to vector<16xi32>
    %add3A_70 = arith.addi %add3A_69, %iota3A : vector<16xi32>
    %shift_right_logical3A_71 = arith.constant 1 : i32
    %shift_right_logical3A_72 = vector.broadcast %shift_right_logical3A_71 : i32 to vector<16xi32>
    %shift_right_logical3A_73 = arith.shrui %add3A_70, %shift_right_logical3A_72 : vector<16xi32>
    %swap3A_74 = arith.constant 96 : index
    %swap3A_75 = tpu.vector_load %arg5[%swap3A_74] {strides = array<i32>} : memref<128xi32, #tpu.memory_space<vmem>>, vector<16xi32>,
    %swap3A_76 = vector.shape_cast %swap3A_75 : vector<16xi32> to vector<16xi32>
    %swap3A_77 = vector.shape_cast %shift_right_logical3A_73 : vector<16xi32> to vector<16xi32>
    tpu.vector_store %arg5[%swap3A_74], %swap3A_77 {strides = array<i32>} : memref<128xi32, #tpu.memory_space<vmem>>, vector<16xi32>,
    %add3A_78 = arith.constant 112 : i32
    %add3A_79 = arith.addi %mul3A_2, %add3A_78 : i32
    %add3A_80 = vector.broadcast %add3A_79 : i32 to vector<16xi32>
    %add3A_81 = arith.addi %add3A_80, %iota3A : vector<16xi32>
    %shift_right_logical3A_82 = arith.constant 1 : i32
    %shift_right_logical3A_83 = vector.broadcast %shift_right_logical3A_82 : i32 to vector<16xi32>
    %shift_right_logical3A_84 = arith.shrui %add3A_81, %shift_right_logical3A_83 : vector<16xi32>
    %swap3A_85 = arith.constant 112 : index
    %swap3A_86 = tpu.vector_load %arg5[%swap3A_85] {strides = array<i32>} : memref<128xi32, #tpu.memory_space<vmem>>, vector<16xi32>,
    %swap3A_87 = vector.shape_cast %swap3A_86 : vector<16xi32> to vector<16xi32>
    %swap3A_88 = vector.shape_cast %shift_right_logical3A_84 : vector<16xi32> to vector<16xi32>
    tpu.vector_store %arg5[%swap3A_85], %swap3A_88 {strides = array<i32>} : memref<128xi32, #tpu.memory_space<vmem>>, vector<16xi32>,
    "tpu.region"() ({
      %run_scoped3A = tpu.sem_alloc : memref<!tpu.dma_semaphore, #tpu.memory_space<semaphore_mem>>
      %dma_start3A_99 = tpu.memref_slice %arg3[%mul3A_2] : memref<4096xi32, #tpu.memory_space<hbm>> -> memref<128xi32, #tpu.memory_space<hbm>>
      %dma_start3A_100 = tpu.memref_slice %arg3[%mul3A_2] : memref<4096xi32, #tpu.memory_space<hbm>> -> memref<128xi32, #tpu.memory_space<hbm>>
      tpu.enqueue_dma source(%dma_start3A_100 : memref<128xi32, #tpu.memory_space<hbm>>) target(%arg6 : memref<128xi32, #tpu.memory_space<vmem>>) target_semaphore(%run_scoped3A : memref<!tpu.dma_semaphore, #tpu.memory_space<semaphore_mem>>)
      %dma_wait3A_101 = tpu.memref_slice %arg3[%mul3A_2] : memref<4096xi32, #tpu.memory_space<hbm>> -> memref<128xi32, #tpu.memory_space<hbm>>
      %dma_wait3A_102 = tpu.memref_slice %arg3[%mul3A_2] : memref<4096xi32, #tpu.memory_space<hbm>> -> memref<128xi32, #tpu.memory_space<hbm>>
      tpu.wait_dma2 semaphore(%run_scoped3A : memref<!tpu.dma_semaphore, #tpu.memory_space<semaphore_mem>>) src(%dma_wait3A_102 : memref<128xi32, #tpu.memory_space<hbm>>) dst(%arg6 : memref<128xi32, #tpu.memory_space<vmem>>)
      tpu.yield
    }) : () -> ()
    %dma_start3A = arith.constant 0 : i32
    %dma_start3A_89 = arith.constant 0 : i32
    %dma_start3A_90 = tpu.memref_slice %arg2[%dma_start3A, %dma_start3A_89] : memref<2048x512xi32, #tpu.memory_space<hbm>> -> memref<2048x512xi32, #tpu.memory_space<hbm>>
    tpu.enqueue_indirect_dma source(%dma_start3A_90 : memref<2048x512xi32, #tpu.memory_space<hbm>>) target(%arg7 : memref<128x512xi32, #tpu.memory_space<vmem>>) offsets(%arg5 : memref<128xi32, #tpu.memory_space<vmem>>) semaphore(%arg8 : memref<!tpu.dma_semaphore, #tpu.memory_space<semaphore_mem>>)
    %dma_wait3A = arith.constant 0 : i32
    %dma_wait3A_91 = arith.constant 0 : i32
    %dma_wait3A_92 = tpu.memref_slice %arg2[%dma_wait3A, %dma_wait3A_91] : memref<2048x512xi32, #tpu.memory_space<hbm>> -> memref<2048x512xi32, #tpu.memory_space<hbm>>
    tpu.wait_indirect_dma semaphore(%arg8 : memref<!tpu.dma_semaphore, #tpu.memory_space<semaphore_mem>>) src(%dma_wait3A_92 : memref<2048x512xi32, #tpu.memory_space<hbm>>) dst(%arg7 : memref<128x512xi32, #tpu.memory_space<vmem>>)
    %dma_start3A_93 = arith.constant 0 : i32
    %dma_start3A_94 = arith.constant 0 : i32
    %dma_start3A_95 = tpu.memref_slice %arg4[%dma_start3A_93, %dma_start3A_94] : memref<5120x512xi32, #tpu.memory_space<hbm>> -> memref<5120x512xi32, #tpu.memory_space<hbm>>
    tpu.enqueue_indirect_dma source(%arg7 : memref<128x512xi32, #tpu.memory_space<vmem>>) target(%dma_start3A_95 : memref<5120x512xi32, #tpu.memory_space<hbm>>) offsets(%arg6 : memref<128xi32, #tpu.memory_space<vmem>>) semaphore(%arg8 : memref<!tpu.dma_semaphore, #tpu.memory_space<semaphore_mem>>)
    %dma_wait3A_96 = arith.constant 0 : i32
    %dma_wait3A_97 = arith.constant 0 : i32
    %dma_wait3A_98 = tpu.memref_slice %arg4[%dma_wait3A_96, %dma_wait3A_97] : memref<5120x512xi32, #tpu.memory_space<hbm>> -> memref<5120x512xi32, #tpu.memory_space<hbm>>
    tpu.wait_indirect_dma semaphore(%arg8 : memref<!tpu.dma_semaphore, #tpu.memory_space<semaphore_mem>>) src(%arg7 : memref<128x512xi32, #tpu.memory_space<vmem>>) dst(%dma_wait3A_98 : memref<5120x512xi32, #tpu.memory_space<hbm>>)
    return
  }
}

module attributes {stable_mosaic.version = 14 : i64} {
  func.func @_router_body(%arg0: i32, %arg1: memref<128x1024xf32, #tpu.memory_space<vmem>>, %arg2: memref<1024x8xf32, #tpu.memory_space<vmem>>, %arg3: memref<1x8xf32, #tpu.memory_space<vmem>>, %arg4: memref<128x8xf32, #tpu.memory_space<vmem>>, %arg5: memref<128x512xi32, #tpu.memory_space<vmem>>, %arg6: memref<128x2xi32, #tpu.memory_space<vmem>>, %arg7: memref<128x2xf32, #tpu.memory_space<vmem>>, %arg8: memref<2048x2xi32, #tpu.memory_space<vmem>>, %arg9: memref<1x40xi32, #tpu.memory_space<vmem>>, %arg10: memref<1x8xf32, #tpu.memory_space<vmem>>, %arg11: memref<2048x2xi32, #tpu.memory_space<vmem>>, %arg12: memref<2048x2xf32, #tpu.memory_space<vmem>>) attributes {dimension_semantics = [#tpu.dimension_semantics<arbitrary>], iteration_bounds = array<i64: 17>, scalar_prefetch = 0 : i64, scratch_operands = 3 : i64, tpu.core_type = #tpu.core_type<tc>, window_params = [{transform_indices = @transform_0, window_bounds = array<i64: 128, 1024>}, {pipeline_mode = #tpu.pipeline_mode<synchronous>, transform_indices = @transform_1, window_bounds = array<i64: 1024, 8>}, {pipeline_mode = #tpu.pipeline_mode<synchronous>, transform_indices = @transform_2, window_bounds = array<i64: 1, 8>}, {transform_indices = @transform_3, window_bounds = array<i64: 128, 8>}, {transform_indices = @transform_4, window_bounds = array<i64: 128, 512>}, {transform_indices = @transform_5, window_bounds = array<i64: 128, 2>}, {transform_indices = @transform_6, window_bounds = array<i64: 128, 2>}, {pipeline_mode = #tpu.pipeline_mode<synchronous>, transform_indices = @transform_7, window_bounds = array<i64: 2048, 2>}, {pipeline_mode = #tpu.pipeline_mode<synchronous>, transform_indices = @transform_8, window_bounds = array<i64: 1, 40>}]} {
    %eq3A = arith.constant 0 : i32
    %eq3A_0 = arith.cmpi eq, %arg0, %eq3A : i32
    %convert_element_type3A = arith.extui %eq3A_0 : i1 to i32
    %cond3A = arith.constant 0 : i32
    %cond3A_1 = arith.cmpi ne, %convert_element_type3A, %cond3A : i32
    scf.if %cond3A_1 {
      %broadcast_in_dim3A = arith.constant 0.000000e+00 : f32
      %broadcast_in_dim3A_11 = vector.broadcast %broadcast_in_dim3A : f32 to vector<1x8xf32>
      %swap3A = arith.constant 0 : index
      %swap3A_12 = arith.constant 0 : index
      %swap3A_13 = vector.load %arg10[%swap3A, %swap3A_12] : memref<1x8xf32, #tpu.memory_space<vmem>>, vector<1x8xf32>
      tpu.vector_store %arg10[%swap3A, %swap3A_12], %broadcast_in_dim3A_11 {strides = array<i32>} : memref<1x8xf32, #tpu.memory_space<vmem>>, vector<1x8xf32>,
    } else {
    }
    %lt3A = arith.constant 16 : i32
    %lt3A_2 = arith.cmpi slt, %arg0, %lt3A : i32
    %convert_element_type3A_3 = arith.extui %lt3A_2 : i1 to i32
    %cond3A_4 = arith.constant 0 : i32
    %cond3A_5 = arith.cmpi ne, %convert_element_type3A_3, %cond3A_4 : i32
    scf.if %cond3A_5 {
      %get3A = arith.constant 0 : index
      %get3A_11 = arith.constant 0 : index
      %get3A_12 = vector.load %arg1[%get3A, %get3A_11] : memref<128x1024xf32, #tpu.memory_space<vmem>>, vector<128x1024xf32>
      %get3A_13 = arith.constant 0 : index
      %get3A_14 = arith.constant 0 : index
      %get3A_15 = vector.load %arg2[%get3A_13, %get3A_14] : memref<1024x8xf32, #tpu.memory_space<vmem>>, vector<1024x8xf32>
      %dot_general3A = arith.constant dense<0.000000e+00> : vector<128x8xf32>
      %dot_general3A_16 = tpu.matmul %get3A_12, %get3A_15, %dot_general3A {dimension_numbers = #tpu.dot_dimension_numbers<[1], [0], [0], [1], [0, 0, 1, 1], [], []>, transpose_lhs_hint = false} : vector<128x1024xf32>, vector<1024x8xf32>, vector<128x8xf32> -> vector<128x8xf32>
      %get3A_17 = arith.constant 0 : index
      %get3A_18 = arith.constant 0 : index
      %get3A_19 = vector.load %arg3[%get3A_17, %get3A_18] : memref<1x8xf32, #tpu.memory_space<vmem>>, vector<1x8xf32>
      %add3A = vector.broadcast %get3A_19 : vector<1x8xf32> to vector<128x8xf32>
      %add3A_20 = arith.addf %dot_general3A_16, %add3A : vector<128x8xf32>
      %reduce_max3A = arith.constant dense<0xFF800000> : vector<128xf32>
      %reduce_max3A_21 = vector.multi_reduction <maximumf>, %add3A_20, %reduce_max3A [1] : vector<128x8xf32> to vector<128xf32>
      %broadcast_in_dim3A = vector.shape_cast %reduce_max3A_21 : vector<128xf32> to vector<128x1xf32>
      %sub3A = vector.broadcast %broadcast_in_dim3A : vector<128x1xf32> to vector<128x8xf32>
      %sub3A_22 = arith.subf %add3A_20, %sub3A : vector<128x8xf32>
      %exp3A = math.exp %sub3A_22 : vector<128x8xf32>
      %reduce_sum3A = arith.constant dense<0.000000e+00> : vector<128xf32>
      %reduce_sum3A_23 = vector.multi_reduction <add>, %exp3A, %reduce_sum3A [1] : vector<128x8xf32> to vector<128xf32>
      %broadcast_in_dim3A_24 = vector.shape_cast %reduce_sum3A_23 : vector<128xf32> to vector<128x1xf32>
      %div3A = vector.broadcast %broadcast_in_dim3A_24 : vector<128x1xf32> to vector<128x8xf32>
      %div3A_25 = arith.divf %exp3A, %div3A : vector<128x8xf32>
      %iota3A = tpu.iota {dimensions = array<i32: 1>} : vector<128x8xi32>
      %reduce_max3A_26 = arith.constant dense<0xFF800000> : vector<128xf32>
      %reduce_max3A_27 = vector.multi_reduction <maximumf>, %div3A_25, %reduce_max3A_26 [1] : vector<128x8xf32> to vector<128xf32>
      %broadcast_in_dim3A_28 = vector.shape_cast %reduce_max3A_27 : vector<128xf32> to vector<128x1xf32>
      %eq3A_29 = vector.broadcast %broadcast_in_dim3A_28 : vector<128x1xf32> to vector<128x8xf32>
      %eq3A_30 = arith.cmpf oeq, %div3A_25, %eq3A_29 : vector<128x8xf32>
      %jit3A = arith.constant 8 : i32
      %broadcast_in_dim3A_31 = vector.broadcast %jit3A : i32 to vector<128x8xi32>
      %select_n3A = arith.select %eq3A_30, %iota3A, %broadcast_in_dim3A_31 : vector<128x8xi1>, vector<128x8xi32>
      %reduce_min3A = arith.constant dense<2147483647> : vector<128xi32>
      %reduce_min3A_32 = vector.multi_reduction <minsi>, %select_n3A, %reduce_min3A [1] : vector<128x8xi32> to vector<128xi32>
      %broadcast_in_dim3A_33 = vector.shape_cast %reduce_min3A_32 : vector<128xi32> to vector<128x1xi32>
      %eq3A_34 = vector.broadcast %broadcast_in_dim3A_33 : vector<128x1xi32> to vector<128x8xi32>
      %eq3A_35 = arith.cmpi eq, %iota3A, %eq3A_34 : vector<128x8xi32>
      %jit3A_36 = arith.constant -1.000000e+00 : f32
      %broadcast_in_dim3A_37 = vector.broadcast %jit3A_36 : f32 to vector<128x8xf32>
      %select_n3A_38 = arith.select %eq3A_35, %broadcast_in_dim3A_37, %div3A_25 : vector<128x8xi1>, vector<128x8xf32>
      %reduce_max3A_39 = arith.constant dense<0xFF800000> : vector<128xf32>
      %reduce_max3A_40 = vector.multi_reduction <maximumf>, %select_n3A_38, %reduce_max3A_39 [1] : vector<128x8xf32> to vector<128xf32>
      %broadcast_in_dim3A_41 = vector.shape_cast %reduce_max3A_40 : vector<128xf32> to vector<128x1xf32>
      %eq3A_42 = vector.broadcast %broadcast_in_dim3A_41 : vector<128x1xf32> to vector<128x8xf32>
      %eq3A_43 = arith.cmpf oeq, %select_n3A_38, %eq3A_42 : vector<128x8xf32>
      %jit3A_44 = arith.constant 8 : i32
      %broadcast_in_dim3A_45 = vector.broadcast %jit3A_44 : i32 to vector<128x8xi32>
      %select_n3A_46 = arith.select %eq3A_43, %iota3A, %broadcast_in_dim3A_45 : vector<128x8xi1>, vector<128x8xi32>
      %reduce_min3A_47 = arith.constant dense<2147483647> : vector<128xi32>
      %reduce_min3A_48 = vector.multi_reduction <minsi>, %select_n3A_46, %reduce_min3A_47 [1] : vector<128x8xi32> to vector<128xi32>
      %broadcast_in_dim3A_49 = vector.shape_cast %reduce_min3A_48 : vector<128xi32> to vector<128x1xi32>
      %swap3A = arith.constant 0 : index
      %swap3A_50 = arith.constant 0 : index
      %swap3A_51 = vector.load %arg4[%swap3A, %swap3A_50] : memref<128x8xf32, #tpu.memory_space<vmem>>, vector<128x8xf32>
      tpu.vector_store %arg4[%swap3A, %swap3A_50], %div3A_25 {strides = array<i32>} : memref<128x8xf32, #tpu.memory_space<vmem>>, vector<128x8xf32>,
      %bitcast_convert_type3A = tpu.bitcast %get3A_12 : vector<128x1024xf32> -> vector<128x1024xi32>
      %shift_right_logical3A = arith.constant 16 : i32
      %shift_right_logical3A_52 = vector.broadcast %shift_right_logical3A : i32 to vector<128x1024xi32>
      %shift_right_logical3A_53 = arith.shrui %bitcast_convert_type3A, %shift_right_logical3A_52 : vector<128x1024xi32>
      %and3A = arith.constant 1 : i32
      %and3A_54 = vector.broadcast %and3A : i32 to vector<128x1024xi32>
      %and3A_55 = arith.andi %shift_right_logical3A_53, %and3A_54 : vector<128x1024xi32>
      %add3A_56 = arith.constant 32767 : i32
      %add3A_57 = vector.broadcast %add3A_56 : i32 to vector<128x1024xi32>
      %add3A_58 = arith.addi %bitcast_convert_type3A, %add3A_57 : vector<128x1024xi32>
      %add3A_59 = arith.addi %add3A_58, %and3A_55 : vector<128x1024xi32>
      %shift_right_logical3A_60 = arith.constant 16 : i32
      %shift_right_logical3A_61 = vector.broadcast %shift_right_logical3A_60 : i32 to vector<128x1024xi32>
      %shift_right_logical3A_62 = arith.shrui %add3A_59, %shift_right_logical3A_61 : vector<128x1024xi32>
      %and3A_63 = arith.constant 65535 : i32
      %and3A_64 = vector.broadcast %and3A_63 : i32 to vector<128x1024xi32>
      %and3A_65 = arith.andi %shift_right_logical3A_62, %and3A_64 : vector<128x1024xi32>
      %slice3A = vector.extract_strided_slice %and3A_65 {offsets = [0, 0], sizes = [128, 512], strides = [1, 1]} : vector<128x1024xi32> to vector<128x512xi32>
      %slice3A_66 = vector.extract_strided_slice %and3A_65 {offsets = [0, 512], sizes = [128, 512], strides = [1, 1]} : vector<128x1024xi32> to vector<128x512xi32>
      %shift_left3A = arith.constant 16 : i32
      %shift_left3A_67 = vector.broadcast %shift_left3A : i32 to vector<128x512xi32>
      %shift_left3A_68 = arith.shli %slice3A_66, %shift_left3A_67 : vector<128x512xi32>
      %or3A = arith.ori %slice3A, %shift_left3A_68 : vector<128x512xi32>
      %swap3A_69 = arith.constant 0 : index
      %swap3A_70 = arith.constant 0 : index
      %swap3A_71 = vector.load %arg5[%swap3A_69, %swap3A_70] : memref<128x512xi32, #tpu.memory_space<vmem>>, vector<128x512xi32>
      tpu.vector_store %arg5[%swap3A_69, %swap3A_70], %or3A {strides = array<i32>} : memref<128x512xi32, #tpu.memory_space<vmem>>, vector<128x512xi32>,
      %concatenate3A = tpu.concatenate %broadcast_in_dim3A_33, %broadcast_in_dim3A_49 in 1 : vector<128x1xi32>, vector<128x1xi32> -> vector<128x2xi32>
      %swap3A_72 = arith.constant 0 : index
      %swap3A_73 = arith.constant 0 : index
      %swap3A_74 = vector.load %arg6[%swap3A_72, %swap3A_73] : memref<128x2xi32, #tpu.memory_space<vmem>>, vector<128x2xi32>
      tpu.vector_store %arg6[%swap3A_72, %swap3A_73], %concatenate3A {strides = array<i32>} : memref<128x2xi32, #tpu.memory_space<vmem>>, vector<128x2xi32>,
      %concatenate3A_75 = tpu.concatenate %broadcast_in_dim3A_28, %broadcast_in_dim3A_41 in 1 : vector<128x1xf32>, vector<128x1xf32> -> vector<128x2xf32>
      %mul3A = arith.constant 5.000000e-01 : f32
      %mul3A_76 = vector.broadcast %mul3A : f32 to vector<128x2xf32>
      %mul3A_77 = arith.mulf %concatenate3A_75, %mul3A_76 : vector<128x2xf32>
      %swap3A_78 = arith.constant 0 : index
      %swap3A_79 = arith.constant 0 : index
      %swap3A_80 = vector.load %arg7[%swap3A_78, %swap3A_79] : memref<128x2xf32, #tpu.memory_space<vmem>>, vector<128x2xf32>
      tpu.vector_store %arg7[%swap3A_78, %swap3A_79], %mul3A_77 {strides = array<i32>} : memref<128x2xf32, #tpu.memory_space<vmem>>, vector<128x2xf32>,
      %eq3A_81 = vector.broadcast %broadcast_in_dim3A_33 : vector<128x1xi32> to vector<128x8xi32>
      %eq3A_82 = arith.cmpi eq, %iota3A, %eq3A_81 : vector<128x8xi32>
      %convert_element_type3A_83 = arith.extui %eq3A_82 : vector<128x8xi1> to vector<128x8xi32>
      %convert_element_type3A_84 = arith.sitofp %convert_element_type3A_83 : vector<128x8xi32> to vector<128x8xf32>
      %eq3A_85 = vector.broadcast %broadcast_in_dim3A_49 : vector<128x1xi32> to vector<128x8xi32>
      %eq3A_86 = arith.cmpi eq, %iota3A, %eq3A_85 : vector<128x8xi32>
      %convert_element_type3A_87 = arith.extui %eq3A_86 : vector<128x8xi1> to vector<128x8xi32>
      %convert_element_type3A_88 = arith.sitofp %convert_element_type3A_87 : vector<128x8xi32> to vector<128x8xf32>
      %iota3A_89 = tpu.iota {dimensions = array<i32: 0>} : vector<128x128xi32>
      %iota3A_90 = tpu.iota {dimensions = array<i32: 1>} : vector<128x128xi32>
      %gt3A = arith.cmpi sgt, %iota3A_89, %iota3A_90 : vector<128x128xi32>
      %convert_element_type3A_91 = arith.extui %gt3A : vector<128x128xi1> to vector<128x128xi32>
      %convert_element_type3A_92 = arith.sitofp %convert_element_type3A_91 : vector<128x128xi32> to vector<128x128xf32>
      %dot_general3A_93 = arith.constant dense<0.000000e+00> : vector<128x8xf32>
      %dot_general3A_94 = tpu.matmul %convert_element_type3A_92, %convert_element_type3A_84, %dot_general3A_93 {dimension_numbers = #tpu.dot_dimension_numbers<[1], [0], [0], [1], [0, 0, 1, 1], [], []>, transpose_lhs_hint = false} : vector<128x128xf32>, vector<128x8xf32>, vector<128x8xf32> -> vector<128x8xf32>
      %dot_general3A_95 = arith.constant dense<0.000000e+00> : vector<128x8xf32>
      %dot_general3A_96 = tpu.matmul %convert_element_type3A_92, %convert_element_type3A_88, %dot_general3A_95 {dimension_numbers = #tpu.dot_dimension_numbers<[1], [0], [0], [1], [0, 0, 1, 1], [], []>, transpose_lhs_hint = false} : vector<128x128xf32>, vector<128x8xf32>, vector<128x8xf32> -> vector<128x8xf32>
      %get3A_97 = arith.constant 0 : index
      %get3A_98 = arith.constant 0 : index
      %get3A_99 = vector.load %arg10[%get3A_97, %get3A_98] : memref<1x8xf32, #tpu.memory_space<vmem>>, vector<1x8xf32>
      %reduce_sum3A_100 = arith.constant dense<0.000000e+00> : vector<8xf32>
      %reduce_sum3A_101 = vector.multi_reduction <add>, %convert_element_type3A_84, %reduce_sum3A_100 [0] : vector<128x8xf32> to vector<8xf32>
      %broadcast_in_dim3A_102 = vector.shape_cast %reduce_sum3A_101 : vector<8xf32> to vector<1x8xf32>
      %reduce_sum3A_103 = arith.constant dense<0.000000e+00> : vector<8xf32>
      %reduce_sum3A_104 = vector.multi_reduction <add>, %convert_element_type3A_88, %reduce_sum3A_103 [0] : vector<128x8xf32> to vector<8xf32>
      %broadcast_in_dim3A_105 = vector.shape_cast %reduce_sum3A_104 : vector<8xf32> to vector<1x8xf32>
      %add3A_106 = vector.broadcast %get3A_99 : vector<1x8xf32> to vector<128x8xf32>
      %add3A_107 = arith.addf %dot_general3A_94, %add3A_106 : vector<128x8xf32>
      %mul3A_108 = arith.mulf %add3A_107, %convert_element_type3A_84 : vector<128x8xf32>
      %reduce_sum3A_109 = arith.constant dense<0.000000e+00> : vector<128xf32>
      %reduce_sum3A_110 = vector.multi_reduction <add>, %mul3A_108, %reduce_sum3A_109 [1] : vector<128x8xf32> to vector<128xf32>
      %broadcast_in_dim3A_111 = vector.shape_cast %reduce_sum3A_110 : vector<128xf32> to vector<128x1xf32>
      %add3A_112 = vector.broadcast %get3A_99 : vector<1x8xf32> to vector<128x8xf32>
      %add3A_113 = arith.addf %dot_general3A_96, %add3A_112 : vector<128x8xf32>
      %add3A_114 = vector.broadcast %broadcast_in_dim3A_102 : vector<1x8xf32> to vector<128x8xf32>
      %add3A_115 = arith.addf %add3A_113, %add3A_114 : vector<128x8xf32>
      %mul3A_116 = arith.mulf %add3A_115, %convert_element_type3A_88 : vector<128x8xf32>
      %reduce_sum3A_117 = arith.constant dense<0.000000e+00> : vector<128xf32>
      %reduce_sum3A_118 = vector.multi_reduction <add>, %mul3A_116, %reduce_sum3A_117 [1] : vector<128x8xf32> to vector<128xf32>
      %broadcast_in_dim3A_119 = vector.shape_cast %reduce_sum3A_118 : vector<128xf32> to vector<128x1xf32>
      %add3A_120 = arith.addf %get3A_99, %broadcast_in_dim3A_102 : vector<1x8xf32>
      %add3A_121 = arith.addf %add3A_120, %broadcast_in_dim3A_105 : vector<1x8xf32>
      %swap3A_122 = arith.constant 0 : index
      %swap3A_123 = arith.constant 0 : index
      %swap3A_124 = vector.load %arg10[%swap3A_122, %swap3A_123] : memref<1x8xf32, #tpu.memory_space<vmem>>, vector<1x8xf32>
      tpu.vector_store %arg10[%swap3A_122, %swap3A_123], %add3A_121 {strides = array<i32>} : memref<1x8xf32, #tpu.memory_space<vmem>>, vector<1x8xf32>,
      %concatenate3A_125 = tpu.concatenate %broadcast_in_dim3A_111, %broadcast_in_dim3A_119 in 1 : vector<128x1xf32>, vector<128x1xf32> -> vector<128x2xf32>
      %mul3A_126 = arith.constant 128 : i32
      %mul3A_127 = arith.muli %arg0, %mul3A_126 : i32
      %swap3A_128 = arith.index_cast %mul3A_127 : i32 to index
      %swap3A_129 = arith.constant 0 : index
      %swap3A_130 = vector.load %arg12[%swap3A_128, %swap3A_129] : memref<2048x2xf32, #tpu.memory_space<vmem>>, vector<128x2xf32>
      tpu.vector_store %arg12[%swap3A_128, %swap3A_129], %concatenate3A_125 {strides = array<i32>} : memref<2048x2xf32, #tpu.memory_space<vmem>>, vector<128x2xf32>,
      %concatenate3A_131 = tpu.concatenate %broadcast_in_dim3A_33, %broadcast_in_dim3A_49 in 1 : vector<128x1xi32>, vector<128x1xi32> -> vector<128x2xi32>
      %mul3A_132 = arith.constant 128 : i32
      %mul3A_133 = arith.muli %arg0, %mul3A_132 : i32
      %swap3A_134 = arith.index_cast %mul3A_133 : i32 to index
      %swap3A_135 = arith.constant 0 : index
      %swap3A_136 = vector.load %arg11[%swap3A_134, %swap3A_135] : memref<2048x2xi32, #tpu.memory_space<vmem>>, vector<128x2xi32>
      tpu.vector_store %arg11[%swap3A_134, %swap3A_135], %concatenate3A_131 {strides = array<i32>} : memref<2048x2xi32, #tpu.memory_space<vmem>>, vector<128x2xi32>,
    } else {
    }
    %eq3A_6 = arith.constant 16 : i32
    %eq3A_7 = arith.cmpi eq, %arg0, %eq3A_6 : i32
    %convert_element_type3A_8 = arith.extui %eq3A_7 : i1 to i32
    %cond3A_9 = arith.constant 0 : i32
    %cond3A_10 = arith.cmpi ne, %convert_element_type3A_8, %cond3A_9 : i32
    scf.if %cond3A_10 {
      %get3A = arith.constant 0 : index
      %get3A_11 = arith.constant 0 : index
      %get3A_12 = vector.load %arg10[%get3A, %get3A_11] : memref<1x8xf32, #tpu.memory_space<vmem>>, vector<1x8xf32>
      %add3A = arith.constant 1.270000e+02 : f32
      %add3A_13 = vector.broadcast %add3A : f32 to vector<1x8xf32>
      %add3A_14 = arith.addf %get3A_12, %add3A_13 : vector<1x8xf32>
      %mul3A = arith.constant 7.812500e-03 : f32
      %mul3A_15 = vector.broadcast %mul3A : f32 to vector<1x8xf32>
      %mul3A_16 = arith.mulf %add3A_14, %mul3A_15 : vector<1x8xf32>
      %floor3A = math.floor %mul3A_16 : vector<1x8xf32>
      %mul3A_17 = arith.constant 1.280000e+02 : f32
      %mul3A_18 = vector.broadcast %mul3A_17 : f32 to vector<1x8xf32>
      %mul3A_19 = arith.mulf %floor3A, %mul3A_18 : vector<1x8xf32>
      %iota3A = tpu.iota {dimensions = array<i32: 0>} : vector<8x8xi32>
      %iota3A_20 = tpu.iota {dimensions = array<i32: 1>} : vector<8x8xi32>
      %lt3A_21 = arith.cmpi slt, %iota3A, %iota3A_20 : vector<8x8xi32>
      %convert_element_type3A_22 = arith.extui %lt3A_21 : vector<8x8xi1> to vector<8x8xi32>
      %convert_element_type3A_23 = arith.sitofp %convert_element_type3A_22 : vector<8x8xi32> to vector<8x8xf32>
      %dot_general3A = arith.constant dense<0.000000e+00> : vector<1x8xf32>
      %dot_general3A_24 = tpu.matmul %mul3A_19, %convert_element_type3A_23, %dot_general3A {dimension_numbers = #tpu.dot_dimension_numbers<[1], [0], [0], [1], [0, 0, 1, 1], [], []>, transpose_lhs_hint = false} : vector<1x8xf32>, vector<8x8xf32>, vector<1x8xf32> -> vector<1x8xf32>
      %add3A_25 = arith.addf %dot_general3A_24, %mul3A_19 : vector<1x8xf32>
      %get3A_26 = arith.constant 0 : index
      %get3A_27 = arith.constant 0 : index
      %get3A_28 = vector.load %arg11[%get3A_26, %get3A_27] : memref<2048x2xi32, #tpu.memory_space<vmem>>, vector<2048x2xi32>
      %get3A_29 = arith.constant 0 : index
      %get3A_30 = arith.constant 0 : index
      %get3A_31 = vector.load %arg12[%get3A_29, %get3A_30] : memref<2048x2xf32, #tpu.memory_space<vmem>>, vector<2048x2xf32>
      %broadcast_in_dim3A = arith.constant 0.000000e+00 : f32
      %broadcast_in_dim3A_32 = vector.broadcast %broadcast_in_dim3A : f32 to vector<2048x2xf32>
      %eq3A_33 = arith.constant 0 : i32
      %eq3A_34 = vector.broadcast %eq3A_33 : i32 to vector<2048x2xi32>
      %eq3A_35 = arith.cmpi eq, %get3A_28, %eq3A_34 : vector<2048x2xi32>
      %slice3A = vector.extract_strided_slice %dot_general3A_24 {offsets = [0, 0], sizes = [1, 1], strides = [1, 1]} : vector<1x8xf32> to vector<1x1xf32>
      %jit3A = arith.constant 0.000000e+00 : f32
      %broadcast_in_dim3A_36 = vector.shape_cast %slice3A : vector<1x1xf32> to vector<1x1xf32>
      %broadcast_in_dim3A_37 = vector.broadcast %broadcast_in_dim3A_36 : vector<1x1xf32> to vector<2048x2xf32>
      %broadcast_in_dim3A_38 = vector.broadcast %jit3A : f32 to vector<2048x2xf32>
      %select_n3A = arith.select %eq3A_35, %broadcast_in_dim3A_37, %broadcast_in_dim3A_38 : vector<2048x2xi1>, vector<2048x2xf32>
      %add3A_39 = arith.addf %broadcast_in_dim3A_32, %select_n3A : vector<2048x2xf32>
      %eq3A_40 = arith.constant 1 : i32
      %eq3A_41 = vector.broadcast %eq3A_40 : i32 to vector<2048x2xi32>
      %eq3A_42 = arith.cmpi eq, %get3A_28, %eq3A_41 : vector<2048x2xi32>
      %slice3A_43 = vector.extract_strided_slice %dot_general3A_24 {offsets = [0, 1], sizes = [1, 1], strides = [1, 1]} : vector<1x8xf32> to vector<1x1xf32>
      %jit3A_44 = arith.constant 0.000000e+00 : f32
      %broadcast_in_dim3A_45 = vector.shape_cast %slice3A_43 : vector<1x1xf32> to vector<1x1xf32>
      %broadcast_in_dim3A_46 = vector.broadcast %broadcast_in_dim3A_45 : vector<1x1xf32> to vector<2048x2xf32>
      %broadcast_in_dim3A_47 = vector.broadcast %jit3A_44 : f32 to vector<2048x2xf32>
      %select_n3A_48 = arith.select %eq3A_42, %broadcast_in_dim3A_46, %broadcast_in_dim3A_47 : vector<2048x2xi1>, vector<2048x2xf32>
      %add3A_49 = arith.addf %add3A_39, %select_n3A_48 : vector<2048x2xf32>
      %eq3A_50 = arith.constant 2 : i32
      %eq3A_51 = vector.broadcast %eq3A_50 : i32 to vector<2048x2xi32>
      %eq3A_52 = arith.cmpi eq, %get3A_28, %eq3A_51 : vector<2048x2xi32>
      %slice3A_53 = vector.extract_strided_slice %dot_general3A_24 {offsets = [0, 2], sizes = [1, 1], strides = [1, 1]} : vector<1x8xf32> to vector<1x1xf32>
      %jit3A_54 = arith.constant 0.000000e+00 : f32
      %broadcast_in_dim3A_55 = vector.shape_cast %slice3A_53 : vector<1x1xf32> to vector<1x1xf32>
      %broadcast_in_dim3A_56 = vector.broadcast %broadcast_in_dim3A_55 : vector<1x1xf32> to vector<2048x2xf32>
      %broadcast_in_dim3A_57 = vector.broadcast %jit3A_54 : f32 to vector<2048x2xf32>
      %select_n3A_58 = arith.select %eq3A_52, %broadcast_in_dim3A_56, %broadcast_in_dim3A_57 : vector<2048x2xi1>, vector<2048x2xf32>
      %add3A_59 = arith.addf %add3A_49, %select_n3A_58 : vector<2048x2xf32>
      %eq3A_60 = arith.constant 3 : i32
      %eq3A_61 = vector.broadcast %eq3A_60 : i32 to vector<2048x2xi32>
      %eq3A_62 = arith.cmpi eq, %get3A_28, %eq3A_61 : vector<2048x2xi32>
      %slice3A_63 = vector.extract_strided_slice %dot_general3A_24 {offsets = [0, 3], sizes = [1, 1], strides = [1, 1]} : vector<1x8xf32> to vector<1x1xf32>
      %jit3A_64 = arith.constant 0.000000e+00 : f32
      %broadcast_in_dim3A_65 = vector.shape_cast %slice3A_63 : vector<1x1xf32> to vector<1x1xf32>
      %broadcast_in_dim3A_66 = vector.broadcast %broadcast_in_dim3A_65 : vector<1x1xf32> to vector<2048x2xf32>
      %broadcast_in_dim3A_67 = vector.broadcast %jit3A_64 : f32 to vector<2048x2xf32>
      %select_n3A_68 = arith.select %eq3A_62, %broadcast_in_dim3A_66, %broadcast_in_dim3A_67 : vector<2048x2xi1>, vector<2048x2xf32>
      %add3A_69 = arith.addf %add3A_59, %select_n3A_68 : vector<2048x2xf32>
      %eq3A_70 = arith.constant 4 : i32
      %eq3A_71 = vector.broadcast %eq3A_70 : i32 to vector<2048x2xi32>
      %eq3A_72 = arith.cmpi eq, %get3A_28, %eq3A_71 : vector<2048x2xi32>
      %slice3A_73 = vector.extract_strided_slice %dot_general3A_24 {offsets = [0, 4], sizes = [1, 1], strides = [1, 1]} : vector<1x8xf32> to vector<1x1xf32>
      %jit3A_74 = arith.constant 0.000000e+00 : f32
      %broadcast_in_dim3A_75 = vector.shape_cast %slice3A_73 : vector<1x1xf32> to vector<1x1xf32>
      %broadcast_in_dim3A_76 = vector.broadcast %broadcast_in_dim3A_75 : vector<1x1xf32> to vector<2048x2xf32>
      %broadcast_in_dim3A_77 = vector.broadcast %jit3A_74 : f32 to vector<2048x2xf32>
      %select_n3A_78 = arith.select %eq3A_72, %broadcast_in_dim3A_76, %broadcast_in_dim3A_77 : vector<2048x2xi1>, vector<2048x2xf32>
      %add3A_79 = arith.addf %add3A_69, %select_n3A_78 : vector<2048x2xf32>
      %eq3A_80 = arith.constant 5 : i32
      %eq3A_81 = vector.broadcast %eq3A_80 : i32 to vector<2048x2xi32>
      %eq3A_82 = arith.cmpi eq, %get3A_28, %eq3A_81 : vector<2048x2xi32>
      %slice3A_83 = vector.extract_strided_slice %dot_general3A_24 {offsets = [0, 5], sizes = [1, 1], strides = [1, 1]} : vector<1x8xf32> to vector<1x1xf32>
      %jit3A_84 = arith.constant 0.000000e+00 : f32
      %broadcast_in_dim3A_85 = vector.shape_cast %slice3A_83 : vector<1x1xf32> to vector<1x1xf32>
      %broadcast_in_dim3A_86 = vector.broadcast %broadcast_in_dim3A_85 : vector<1x1xf32> to vector<2048x2xf32>
      %broadcast_in_dim3A_87 = vector.broadcast %jit3A_84 : f32 to vector<2048x2xf32>
      %select_n3A_88 = arith.select %eq3A_82, %broadcast_in_dim3A_86, %broadcast_in_dim3A_87 : vector<2048x2xi1>, vector<2048x2xf32>
      %add3A_89 = arith.addf %add3A_79, %select_n3A_88 : vector<2048x2xf32>
      %eq3A_90 = arith.constant 6 : i32
      %eq3A_91 = vector.broadcast %eq3A_90 : i32 to vector<2048x2xi32>
      %eq3A_92 = arith.cmpi eq, %get3A_28, %eq3A_91 : vector<2048x2xi32>
      %slice3A_93 = vector.extract_strided_slice %dot_general3A_24 {offsets = [0, 6], sizes = [1, 1], strides = [1, 1]} : vector<1x8xf32> to vector<1x1xf32>
      %jit3A_94 = arith.constant 0.000000e+00 : f32
      %broadcast_in_dim3A_95 = vector.shape_cast %slice3A_93 : vector<1x1xf32> to vector<1x1xf32>
      %broadcast_in_dim3A_96 = vector.broadcast %broadcast_in_dim3A_95 : vector<1x1xf32> to vector<2048x2xf32>
      %broadcast_in_dim3A_97 = vector.broadcast %jit3A_94 : f32 to vector<2048x2xf32>
      %select_n3A_98 = arith.select %eq3A_92, %broadcast_in_dim3A_96, %broadcast_in_dim3A_97 : vector<2048x2xi1>, vector<2048x2xf32>
      %add3A_99 = arith.addf %add3A_89, %select_n3A_98 : vector<2048x2xf32>
      %eq3A_100 = arith.constant 7 : i32
      %eq3A_101 = vector.broadcast %eq3A_100 : i32 to vector<2048x2xi32>
      %eq3A_102 = arith.cmpi eq, %get3A_28, %eq3A_101 : vector<2048x2xi32>
      %slice3A_103 = vector.extract_strided_slice %dot_general3A_24 {offsets = [0, 7], sizes = [1, 1], strides = [1, 1]} : vector<1x8xf32> to vector<1x1xf32>
      %jit3A_104 = arith.constant 0.000000e+00 : f32
      %broadcast_in_dim3A_105 = vector.shape_cast %slice3A_103 : vector<1x1xf32> to vector<1x1xf32>
      %broadcast_in_dim3A_106 = vector.broadcast %broadcast_in_dim3A_105 : vector<1x1xf32> to vector<2048x2xf32>
      %broadcast_in_dim3A_107 = vector.broadcast %jit3A_104 : f32 to vector<2048x2xf32>
      %select_n3A_108 = arith.select %eq3A_102, %broadcast_in_dim3A_106, %broadcast_in_dim3A_107 : vector<2048x2xi1>, vector<2048x2xf32>
      %add3A_109 = arith.addf %add3A_99, %select_n3A_108 : vector<2048x2xf32>
      %add3A_110 = arith.addf %add3A_109, %get3A_31 : vector<2048x2xf32>
      %convert_element_type3A_111 = arith.fptosi %add3A_110 : vector<2048x2xf32> to vector<2048x2xi32>
      %swap3A = arith.constant 0 : index
      %swap3A_112 = arith.constant 0 : index
      %swap3A_113 = vector.load %arg8[%swap3A, %swap3A_112] : memref<2048x2xi32, #tpu.memory_space<vmem>>, vector<2048x2xi32>
      tpu.vector_store %arg8[%swap3A, %swap3A_112], %convert_element_type3A_111 {strides = array<i32>} : memref<2048x2xi32, #tpu.memory_space<vmem>>, vector<2048x2xi32>,
      %iota3A_114 = tpu.iota {dimensions = array<i32: 1>} : vector<1x40xi32>
      %convert_element_type3A_115 = arith.sitofp %iota3A_114 : vector<1x40xi32> to vector<1x40xf32>
      %mul3A_116 = arith.constant 1.280000e+02 : f32
      %mul3A_117 = vector.broadcast %mul3A_116 : f32 to vector<1x40xf32>
      %mul3A_118 = arith.mulf %convert_element_type3A_115, %mul3A_117 : vector<1x40xf32>
      %broadcast_in_dim3A_119 = arith.constant 0.000000e+00 : f32
      %broadcast_in_dim3A_120 = vector.broadcast %broadcast_in_dim3A_119 : f32 to vector<1x40xf32>
      %slice3A_121 = vector.extract_strided_slice %add3A_25 {offsets = [0, 0], sizes = [1, 1], strides = [1, 1]} : vector<1x8xf32> to vector<1x1xf32>
      %ge3A = vector.broadcast %slice3A_121 : vector<1x1xf32> to vector<1x40xf32>
      %ge3A_122 = arith.cmpf oge, %mul3A_118, %ge3A : vector<1x40xf32>
      %jit3A_123 = arith.constant 1.000000e+00 : f32
      %jit3A_124 = arith.constant 0.000000e+00 : f32
      %broadcast_in_dim3A_125 = vector.broadcast %jit3A_123 : f32 to vector<1x40xf32>
      %broadcast_in_dim3A_126 = vector.broadcast %jit3A_124 : f32 to vector<1x40xf32>
      %select_n3A_127 = arith.select %ge3A_122, %broadcast_in_dim3A_125, %broadcast_in_dim3A_126 : vector<1x40xi1>, vector<1x40xf32>
      %add3A_128 = arith.addf %broadcast_in_dim3A_120, %select_n3A_127 : vector<1x40xf32>
      %slice3A_129 = vector.extract_strided_slice %add3A_25 {offsets = [0, 1], sizes = [1, 1], strides = [1, 1]} : vector<1x8xf32> to vector<1x1xf32>
      %ge3A_130 = vector.broadcast %slice3A_129 : vector<1x1xf32> to vector<1x40xf32>
      %ge3A_131 = arith.cmpf oge, %mul3A_118, %ge3A_130 : vector<1x40xf32>
      %jit3A_132 = arith.constant 1.000000e+00 : f32
      %jit3A_133 = arith.constant 0.000000e+00 : f32
      %broadcast_in_dim3A_134 = vector.broadcast %jit3A_132 : f32 to vector<1x40xf32>
      %broadcast_in_dim3A_135 = vector.broadcast %jit3A_133 : f32 to vector<1x40xf32>
      %select_n3A_136 = arith.select %ge3A_131, %broadcast_in_dim3A_134, %broadcast_in_dim3A_135 : vector<1x40xi1>, vector<1x40xf32>
      %add3A_137 = arith.addf %add3A_128, %select_n3A_136 : vector<1x40xf32>
      %slice3A_138 = vector.extract_strided_slice %add3A_25 {offsets = [0, 2], sizes = [1, 1], strides = [1, 1]} : vector<1x8xf32> to vector<1x1xf32>
      %ge3A_139 = vector.broadcast %slice3A_138 : vector<1x1xf32> to vector<1x40xf32>
      %ge3A_140 = arith.cmpf oge, %mul3A_118, %ge3A_139 : vector<1x40xf32>
      %jit3A_141 = arith.constant 1.000000e+00 : f32
      %jit3A_142 = arith.constant 0.000000e+00 : f32
      %broadcast_in_dim3A_143 = vector.broadcast %jit3A_141 : f32 to vector<1x40xf32>
      %broadcast_in_dim3A_144 = vector.broadcast %jit3A_142 : f32 to vector<1x40xf32>
      %select_n3A_145 = arith.select %ge3A_140, %broadcast_in_dim3A_143, %broadcast_in_dim3A_144 : vector<1x40xi1>, vector<1x40xf32>
      %add3A_146 = arith.addf %add3A_137, %select_n3A_145 : vector<1x40xf32>
      %slice3A_147 = vector.extract_strided_slice %add3A_25 {offsets = [0, 3], sizes = [1, 1], strides = [1, 1]} : vector<1x8xf32> to vector<1x1xf32>
      %ge3A_148 = vector.broadcast %slice3A_147 : vector<1x1xf32> to vector<1x40xf32>
      %ge3A_149 = arith.cmpf oge, %mul3A_118, %ge3A_148 : vector<1x40xf32>
      %jit3A_150 = arith.constant 1.000000e+00 : f32
      %jit3A_151 = arith.constant 0.000000e+00 : f32
      %broadcast_in_dim3A_152 = vector.broadcast %jit3A_150 : f32 to vector<1x40xf32>
      %broadcast_in_dim3A_153 = vector.broadcast %jit3A_151 : f32 to vector<1x40xf32>
      %select_n3A_154 = arith.select %ge3A_149, %broadcast_in_dim3A_152, %broadcast_in_dim3A_153 : vector<1x40xi1>, vector<1x40xf32>
      %add3A_155 = arith.addf %add3A_146, %select_n3A_154 : vector<1x40xf32>
      %slice3A_156 = vector.extract_strided_slice %add3A_25 {offsets = [0, 4], sizes = [1, 1], strides = [1, 1]} : vector<1x8xf32> to vector<1x1xf32>
      %ge3A_157 = vector.broadcast %slice3A_156 : vector<1x1xf32> to vector<1x40xf32>
      %ge3A_158 = arith.cmpf oge, %mul3A_118, %ge3A_157 : vector<1x40xf32>
      %jit3A_159 = arith.constant 1.000000e+00 : f32
      %jit3A_160 = arith.constant 0.000000e+00 : f32
      %broadcast_in_dim3A_161 = vector.broadcast %jit3A_159 : f32 to vector<1x40xf32>
      %broadcast_in_dim3A_162 = vector.broadcast %jit3A_160 : f32 to vector<1x40xf32>
      %select_n3A_163 = arith.select %ge3A_158, %broadcast_in_dim3A_161, %broadcast_in_dim3A_162 : vector<1x40xi1>, vector<1x40xf32>
      %add3A_164 = arith.addf %add3A_155, %select_n3A_163 : vector<1x40xf32>
      %slice3A_165 = vector.extract_strided_slice %add3A_25 {offsets = [0, 5], sizes = [1, 1], strides = [1, 1]} : vector<1x8xf32> to vector<1x1xf32>
      %ge3A_166 = vector.broadcast %slice3A_165 : vector<1x1xf32> to vector<1x40xf32>
      %ge3A_167 = arith.cmpf oge, %mul3A_118, %ge3A_166 : vector<1x40xf32>
      %jit3A_168 = arith.constant 1.000000e+00 : f32
      %jit3A_169 = arith.constant 0.000000e+00 : f32
      %broadcast_in_dim3A_170 = vector.broadcast %jit3A_168 : f32 to vector<1x40xf32>
      %broadcast_in_dim3A_171 = vector.broadcast %jit3A_169 : f32 to vector<1x40xf32>
      %select_n3A_172 = arith.select %ge3A_167, %broadcast_in_dim3A_170, %broadcast_in_dim3A_171 : vector<1x40xi1>, vector<1x40xf32>
      %add3A_173 = arith.addf %add3A_164, %select_n3A_172 : vector<1x40xf32>
      %slice3A_174 = vector.extract_strided_slice %add3A_25 {offsets = [0, 6], sizes = [1, 1], strides = [1, 1]} : vector<1x8xf32> to vector<1x1xf32>
      %ge3A_175 = vector.broadcast %slice3A_174 : vector<1x1xf32> to vector<1x40xf32>
      %ge3A_176 = arith.cmpf oge, %mul3A_118, %ge3A_175 : vector<1x40xf32>
      %jit3A_177 = arith.constant 1.000000e+00 : f32
      %jit3A_178 = arith.constant 0.000000e+00 : f32
      %broadcast_in_dim3A_179 = vector.broadcast %jit3A_177 : f32 to vector<1x40xf32>
      %broadcast_in_dim3A_180 = vector.broadcast %jit3A_178 : f32 to vector<1x40xf32>
      %select_n3A_181 = arith.select %ge3A_176, %broadcast_in_dim3A_179, %broadcast_in_dim3A_180 : vector<1x40xi1>, vector<1x40xf32>
      %add3A_182 = arith.addf %add3A_173, %select_n3A_181 : vector<1x40xf32>
      %slice3A_183 = vector.extract_strided_slice %add3A_25 {offsets = [0, 7], sizes = [1, 1], strides = [1, 1]} : vector<1x8xf32> to vector<1x1xf32>
      %ge3A_184 = vector.broadcast %slice3A_183 : vector<1x1xf32> to vector<1x40xf32>
      %ge3A_185 = arith.cmpf oge, %mul3A_118, %ge3A_184 : vector<1x40xf32>
      %jit3A_186 = arith.constant 1.000000e+00 : f32
      %jit3A_187 = arith.constant 0.000000e+00 : f32
      %broadcast_in_dim3A_188 = vector.broadcast %jit3A_186 : f32 to vector<1x40xf32>
      %broadcast_in_dim3A_189 = vector.broadcast %jit3A_187 : f32 to vector<1x40xf32>
      %select_n3A_190 = arith.select %ge3A_185, %broadcast_in_dim3A_188, %broadcast_in_dim3A_189 : vector<1x40xi1>, vector<1x40xf32>
      %add3A_191 = arith.addf %add3A_182, %select_n3A_190 : vector<1x40xf32>
      %min3A = arith.constant 7.000000e+00 : f32
      %min3A_192 = vector.broadcast %min3A : f32 to vector<1x40xf32>
      %min3A_193 = arith.minimumf %add3A_191, %min3A_192 : vector<1x40xf32>
      %convert_element_type3A_194 = arith.fptosi %min3A_193 : vector<1x40xf32> to vector<1x40xi32>
      %swap3A_195 = arith.constant 0 : index
      %swap3A_196 = arith.constant 0 : index
      %swap3A_197 = vector.load %arg9[%swap3A_195, %swap3A_196] : memref<1x40xi32, #tpu.memory_space<vmem>>, vector<1x40xi32>
      tpu.vector_store %arg9[%swap3A_195, %swap3A_196], %convert_element_type3A_194 {strides = array<i32>} : memref<1x40xi32, #tpu.memory_space<vmem>>, vector<1x40xi32>,
    } else {
    }
    return
  }
  func.func @transform_0(%arg0: i32) -> (i32, i32) {
    %min3A = arith.constant 15 : i32
    %min3A_0 = arith.minsi %arg0, %min3A : i32
    %c0_i32 = arith.constant 0 : i32
    %c0_i32_1 = arith.constant 0 : i32
    return %min3A_0, %c0_i32 : i32, i32
  }
  func.func @transform_1(%arg0: i32) -> (i32, i32) {
    %c0_i32 = arith.constant 0 : i32
    %c0_i32_0 = arith.constant 0 : i32
    %c0_i32_1 = arith.constant 0 : i32
    return %c0_i32, %c0_i32_0 : i32, i32
  }
  func.func @transform_2(%arg0: i32) -> (i32, i32) {
    %c0_i32 = arith.constant 0 : i32
    %c0_i32_0 = arith.constant 0 : i32
    %c0_i32_1 = arith.constant 0 : i32
    return %c0_i32, %c0_i32_0 : i32, i32
  }
  func.func @transform_3(%arg0: i32) -> (i32, i32) {
    %min3A = arith.constant 15 : i32
    %min3A_0 = arith.minsi %arg0, %min3A : i32
    %c0_i32 = arith.constant 0 : i32
    %c0_i32_1 = arith.constant 0 : i32
    return %min3A_0, %c0_i32 : i32, i32
  }
  func.func @transform_4(%arg0: i32) -> (i32, i32) {
    %min3A = arith.constant 15 : i32
    %min3A_0 = arith.minsi %arg0, %min3A : i32
    %c0_i32 = arith.constant 0 : i32
    %c0_i32_1 = arith.constant 0 : i32
    return %min3A_0, %c0_i32 : i32, i32
  }
  func.func @transform_5(%arg0: i32) -> (i32, i32) {
    %min3A = arith.constant 15 : i32
    %min3A_0 = arith.minsi %arg0, %min3A : i32
    %c0_i32 = arith.constant 0 : i32
    %c0_i32_1 = arith.constant 0 : i32
    return %min3A_0, %c0_i32 : i32, i32
  }
  func.func @transform_6(%arg0: i32) -> (i32, i32) {
    %min3A = arith.constant 15 : i32
    %min3A_0 = arith.minsi %arg0, %min3A : i32
    %c0_i32 = arith.constant 0 : i32
    %c0_i32_1 = arith.constant 0 : i32
    return %min3A_0, %c0_i32 : i32, i32
  }
  func.func @transform_7(%arg0: i32) -> (i32, i32) {
    %c0_i32 = arith.constant 0 : i32
    %c0_i32_0 = arith.constant 0 : i32
    %c0_i32_1 = arith.constant 0 : i32
    return %c0_i32, %c0_i32_0 : i32, i32
  }
  func.func @transform_8(%arg0: i32) -> (i32, i32) {
    %c0_i32 = arith.constant 0 : i32
    %c0_i32_0 = arith.constant 0 : i32
    %c0_i32_1 = arith.constant 0 : i32
    return %c0_i32, %c0_i32_0 : i32, i32
  }
}

module attributes {stable_mosaic.version = 14 : i64} {
  func.func @_expert_body(%arg0: i32, %arg1: memref<40xi32, #tpu.memory_space<smem>>, %arg2: memref<128x512xi32, #tpu.memory_space<vmem>>, %arg3: memref<1x1024x512xf32, #tpu.memory_space<vmem>>, %arg4: memref<1x1x512xf32, #tpu.memory_space<vmem>>, %arg5: memref<1x512x256xf32, #tpu.memory_space<vmem>>, %arg6: memref<1x1x256xf32, #tpu.memory_space<vmem>>, %arg7: memref<1x256x128xbf16, #tpu.memory_space<vmem>>, %arg8: memref<1x1x128xf32, #tpu.memory_space<vmem>>, %arg9: memref<128x128xf32, #tpu.memory_space<vmem>>) attributes {dimension_semantics = [#tpu.dimension_semantics<arbitrary>], iteration_bounds = array<i64: 40>, scalar_prefetch = 1 : i64, scratch_operands = 0 : i64, tpu.core_type = #tpu.core_type<tc>, window_params = [{transform_indices = @transform_0, window_bounds = array<i64: 128, 512>}, {transform_indices = @transform_1, window_bounds = array<i64: 1, 1024, 512>}, {transform_indices = @transform_2, window_bounds = array<i64: 1, 1, 512>}, {transform_indices = @transform_3, window_bounds = array<i64: 1, 512, 256>}, {transform_indices = @transform_4, window_bounds = array<i64: 1, 1, 256>}, {transform_indices = @transform_5, window_bounds = array<i64: 1, 256, 128>}, {transform_indices = @transform_6, window_bounds = array<i64: 1, 1, 128>}, {transform_indices = @transform_7, window_bounds = array<i64: 128, 128>}]} {
    %get3A = arith.constant 0 : index
    %get3A_0 = arith.constant 0 : index
    %get3A_1 = vector.load %arg2[%get3A, %get3A_0] : memref<128x512xi32, #tpu.memory_space<vmem>>, vector<128x512xi32>
    %shift_left3A = arith.constant 16 : i32
    %shift_left3A_2 = vector.broadcast %shift_left3A : i32 to vector<128x512xi32>
    %shift_left3A_3 = arith.shli %get3A_1, %shift_left3A_2 : vector<128x512xi32>
    %bitcast_convert_type3A = tpu.bitcast %shift_left3A_3 : vector<128x512xi32> -> vector<128x512xf32>
    %convert_element_type3A = arith.truncf %bitcast_convert_type3A : vector<128x512xf32> to vector<128x512xbf16>
    %and3A = arith.constant -65536 : i32
    %and3A_4 = vector.broadcast %and3A : i32 to vector<128x512xi32>
    %and3A_5 = arith.andi %get3A_1, %and3A_4 : vector<128x512xi32>
    %bitcast_convert_type3A_6 = tpu.bitcast %and3A_5 : vector<128x512xi32> -> vector<128x512xf32>
    %convert_element_type3A_7 = arith.truncf %bitcast_convert_type3A_6 : vector<128x512xf32> to vector<128x512xbf16>
    %concatenate3A = tpu.concatenate %convert_element_type3A, %convert_element_type3A_7 in 1 : vector<128x512xbf16>, vector<128x512xbf16> -> vector<128x1024xbf16>
    %get3A_8 = arith.constant 0 : index
    %get3A_9 = arith.constant 0 : index
    %get3A_10 = arith.constant 0 : index
    %get3A_11 = vector.load %arg3[%get3A_8, %get3A_9, %get3A_10] : memref<1x1024x512xf32, #tpu.memory_space<vmem>>, vector<1x1024x512xf32>
    %get3A_12 = vector.shape_cast %get3A_11 : vector<1x1024x512xf32> to vector<1024x512xf32>
    %convert_element_type3A_13 = arith.truncf %get3A_12 : vector<1024x512xf32> to vector<1024x512xbf16>
    %dot_general3A = arith.constant dense<0.000000e+00> : vector<128x512xf32>
    %dot_general3A_14 = tpu.matmul %concatenate3A, %convert_element_type3A_13, %dot_general3A {dimension_numbers = #tpu.dot_dimension_numbers<[1], [0], [0], [1], [0, 0, 1, 1], [], []>, transpose_lhs_hint = false} : vector<128x1024xbf16>, vector<1024x512xbf16>, vector<128x512xf32> -> vector<128x512xf32>
    %get3A_15 = arith.constant 0 : index
    %get3A_16 = arith.constant 0 : index
    %get3A_17 = arith.constant 0 : index
    %get3A_18 = vector.load %arg4[%get3A_15, %get3A_16, %get3A_17] : memref<1x1x512xf32, #tpu.memory_space<vmem>>, vector<1x1x512xf32>
    %get3A_19 = vector.shape_cast %get3A_18 : vector<1x1x512xf32> to vector<1x512xf32>
    %add3A = vector.broadcast %get3A_19 : vector<1x512xf32> to vector<128x512xf32>
    %add3A_20 = arith.addf %dot_general3A_14, %add3A : vector<128x512xf32>
    %max3A = arith.constant 0.000000e+00 : f32
    %max3A_21 = vector.broadcast %max3A : f32 to vector<128x512xf32>
    %max3A_22 = arith.maximumf %add3A_20, %max3A_21 : vector<128x512xf32>
    %convert_element_type3A_23 = arith.truncf %max3A_22 : vector<128x512xf32> to vector<128x512xbf16>
    %get3A_24 = arith.constant 0 : index
    %get3A_25 = arith.constant 0 : index
    %get3A_26 = arith.constant 0 : index
    %get3A_27 = vector.load %arg5[%get3A_24, %get3A_25, %get3A_26] : memref<1x512x256xf32, #tpu.memory_space<vmem>>, vector<1x512x256xf32>
    %get3A_28 = vector.shape_cast %get3A_27 : vector<1x512x256xf32> to vector<512x256xf32>
    %convert_element_type3A_29 = arith.truncf %get3A_28 : vector<512x256xf32> to vector<512x256xbf16>
    %dot_general3A_30 = arith.constant dense<0.000000e+00> : vector<128x256xf32>
    %dot_general3A_31 = tpu.matmul %convert_element_type3A_23, %convert_element_type3A_29, %dot_general3A_30 {dimension_numbers = #tpu.dot_dimension_numbers<[1], [0], [0], [1], [0, 0, 1, 1], [], []>, transpose_lhs_hint = false} : vector<128x512xbf16>, vector<512x256xbf16>, vector<128x256xf32> -> vector<128x256xf32>
    %get3A_32 = arith.constant 0 : index
    %get3A_33 = arith.constant 0 : index
    %get3A_34 = arith.constant 0 : index
    %get3A_35 = vector.load %arg6[%get3A_32, %get3A_33, %get3A_34] : memref<1x1x256xf32, #tpu.memory_space<vmem>>, vector<1x1x256xf32>
    %get3A_36 = vector.shape_cast %get3A_35 : vector<1x1x256xf32> to vector<1x256xf32>
    %add3A_37 = vector.broadcast %get3A_36 : vector<1x256xf32> to vector<128x256xf32>
    %add3A_38 = arith.addf %dot_general3A_31, %add3A_37 : vector<128x256xf32>
    %max3A_39 = arith.constant 0.000000e+00 : f32
    %max3A_40 = vector.broadcast %max3A_39 : f32 to vector<128x256xf32>
    %max3A_41 = arith.maximumf %add3A_38, %max3A_40 : vector<128x256xf32>
    %convert_element_type3A_42 = arith.truncf %max3A_41 : vector<128x256xf32> to vector<128x256xbf16>
    %get3A_43 = arith.constant 0 : index
    %get3A_44 = arith.constant 0 : index
    %get3A_45 = arith.constant 0 : index
    %get3A_46 = vector.load %arg7[%get3A_43, %get3A_44, %get3A_45] : memref<1x256x128xbf16, #tpu.memory_space<vmem>>, vector<1x256x128xbf16>
    %get3A_47 = vector.shape_cast %get3A_46 : vector<1x256x128xbf16> to vector<256x128xbf16>
    %dot_general3A_48 = arith.constant dense<0.000000e+00> : vector<128x128xf32>
    %dot_general3A_49 = tpu.matmul %convert_element_type3A_42, %get3A_47, %dot_general3A_48 {dimension_numbers = #tpu.dot_dimension_numbers<[1], [0], [0], [1], [0, 0, 1, 1], [], []>, transpose_lhs_hint = false} : vector<128x256xbf16>, vector<256x128xbf16>, vector<128x128xf32> -> vector<128x128xf32>
    %get3A_50 = arith.constant 0 : index
    %get3A_51 = arith.constant 0 : index
    %get3A_52 = arith.constant 0 : index
    %get3A_53 = vector.load %arg8[%get3A_50, %get3A_51, %get3A_52] : memref<1x1x128xf32, #tpu.memory_space<vmem>>, vector<1x1x128xf32>
    %get3A_54 = vector.shape_cast %get3A_53 : vector<1x1x128xf32> to vector<1x128xf32>
    %add3A_55 = vector.broadcast %get3A_54 : vector<1x128xf32> to vector<128x128xf32>
    %add3A_56 = arith.addf %dot_general3A_49, %add3A_55 : vector<128x128xf32>
    %swap3A = arith.constant 0 : index
    %swap3A_57 = arith.constant 0 : index
    %swap3A_58 = vector.load %arg9[%swap3A, %swap3A_57] : memref<128x128xf32, #tpu.memory_space<vmem>>, vector<128x128xf32>
    tpu.vector_store %arg9[%swap3A, %swap3A_57], %add3A_56 {strides = array<i32>} : memref<128x128xf32, #tpu.memory_space<vmem>>, vector<128x128xf32>,
    return
  }
  func.func @transform_0(%arg0: i32, %arg1: memref<40xi32, #tpu.memory_space<smem>>) -> (i32, i32) {
    %c0_i32 = arith.constant 0 : i32
    %c0_i32_0 = arith.constant 0 : i32
    return %arg0, %c0_i32 : i32, i32
  }
  func.func @transform_1(%arg0: i32, %arg1: memref<40xi32, #tpu.memory_space<smem>>) -> (i32, i32, i32) {
    %get3A = arith.index_cast %arg0 : i32 to index
    %get3A_0 = memref.load %arg1[%get3A] : memref<40xi32, #tpu.memory_space<smem>>
    %c0_i32 = arith.constant 0 : i32
    %c0_i32_1 = arith.constant 0 : i32
    %c0_i32_2 = arith.constant 0 : i32
    return %get3A_0, %c0_i32, %c0_i32_1 : i32, i32, i32
  }
  func.func @transform_2(%arg0: i32, %arg1: memref<40xi32, #tpu.memory_space<smem>>) -> (i32, i32, i32) {
    %get3A = arith.index_cast %arg0 : i32 to index
    %get3A_0 = memref.load %arg1[%get3A] : memref<40xi32, #tpu.memory_space<smem>>
    %c0_i32 = arith.constant 0 : i32
    %c0_i32_1 = arith.constant 0 : i32
    %c0_i32_2 = arith.constant 0 : i32
    return %get3A_0, %c0_i32, %c0_i32_1 : i32, i32, i32
  }
  func.func @transform_3(%arg0: i32, %arg1: memref<40xi32, #tpu.memory_space<smem>>) -> (i32, i32, i32) {
    %get3A = arith.index_cast %arg0 : i32 to index
    %get3A_0 = memref.load %arg1[%get3A] : memref<40xi32, #tpu.memory_space<smem>>
    %c0_i32 = arith.constant 0 : i32
    %c0_i32_1 = arith.constant 0 : i32
    %c0_i32_2 = arith.constant 0 : i32
    return %get3A_0, %c0_i32, %c0_i32_1 : i32, i32, i32
  }
  func.func @transform_4(%arg0: i32, %arg1: memref<40xi32, #tpu.memory_space<smem>>) -> (i32, i32, i32) {
    %get3A = arith.index_cast %arg0 : i32 to index
    %get3A_0 = memref.load %arg1[%get3A] : memref<40xi32, #tpu.memory_space<smem>>
    %c0_i32 = arith.constant 0 : i32
    %c0_i32_1 = arith.constant 0 : i32
    %c0_i32_2 = arith.constant 0 : i32
    return %get3A_0, %c0_i32, %c0_i32_1 : i32, i32, i32
  }
  func.func @transform_5(%arg0: i32, %arg1: memref<40xi32, #tpu.memory_space<smem>>) -> (i32, i32, i32) {
    %get3A = arith.index_cast %arg0 : i32 to index
    %get3A_0 = memref.load %arg1[%get3A] : memref<40xi32, #tpu.memory_space<smem>>
    %c0_i32 = arith.constant 0 : i32
    %c0_i32_1 = arith.constant 0 : i32
    %c0_i32_2 = arith.constant 0 : i32
    return %get3A_0, %c0_i32, %c0_i32_1 : i32, i32, i32
  }
  func.func @transform_6(%arg0: i32, %arg1: memref<40xi32, #tpu.memory_space<smem>>) -> (i32, i32, i32) {
    %get3A = arith.index_cast %arg0 : i32 to index
    %get3A_0 = memref.load %arg1[%get3A] : memref<40xi32, #tpu.memory_space<smem>>
    %c0_i32 = arith.constant 0 : i32
    %c0_i32_1 = arith.constant 0 : i32
    %c0_i32_2 = arith.constant 0 : i32
    return %get3A_0, %c0_i32, %c0_i32_1 : i32, i32, i32
  }
  func.func @transform_7(%arg0: i32, %arg1: memref<40xi32, #tpu.memory_space<smem>>) -> (i32, i32) {
    %c0_i32 = arith.constant 0 : i32
    %c0_i32_0 = arith.constant 0 : i32
    return %arg0, %c0_i32 : i32, i32
  }
}

</mosaic_0001>

<sc_bundles>
// kernel: kernel.5.cloned.1.call-start
scs
__scs_entry_jumppad:
0x0: {  	(pc) =	sbr.rel $0x88, $3  }
0x1: {  	(tag) =	ssettag $0x0;
	lr =	simm.s32 $0x1  }
0x2: {  	[smem:$0x3F98] =	sst lr;
	_ =	strace $0xD0000000  }
0x3: {  	_ = 	snop  }
0x4: {  	_ = 	snop  }
0x5: {  	_ = 	snop  }
0x6: {  	_ = 	snop  }
0x7: {  	_ = 	snop  }
__scs_overlays_trampoline_lowered:
0x8: {  	[smem:$0x3FA7] =	sst s0  }
0x9: {  	[smem:$0x3FA8] =	sst s1  }
0xa: {  	[smem:$0x3FA9] =	sst s2  }
0xb: {  	[smem:$0x3FAA] =	sst s3  }
0xc: {  	[smem:$0x3FAB] =	sst s4  }
0xd: {  	[smem:$0x3FAC] =	sst s5  }
0xe: {  	[smem:$0x3FAD] =	sst s6  }
0xf: {  	[smem:$0x3FAE] =	sst s7  }
0x10: {  	[smem:$0x3FAF] =	sst s8  }
0x11: {  	[smem:$0x3FB0] =	sst s9;
	s0 =	simm.s32 @!p0 $0x0  }
0x12: {  	s1 =	sld [smem:$0x3F96];
	s0 =	simm.s32 @p0 $0x1  }
0x13: {  	[smem:$0x3FB1] =	sst s0;
	s0 =	simm.s32 @!p1 $0x0  }
0x14: {  	s2 =	sld [smem:$0x3F95];
	s0 =	simm.s32 @p1 $0x1  }
0x15: {  	[smem:$0x3FB2] =	sst s0;
	s0 =	simm.s32 @!p2 $0x0  }
0x16: {  	s3 =	sld [smem:$0x3FDB];
	s0 =	simm.s32 @p2 $0x1  }
0x17: {  	s4 =	simm.s32 $0x1BF5;
	[smem:$0x3FB4] =	sst s0  }
0x18: {  	s0 =	sld [smem:$0x3F97];
	_ =	swait.ge [sflag:s4], $0x0  }
0x19: {  	s7 =	sld [smem:$0x3F98]  }
0x1a: {  	s8 =	sadd.s32 $0xFFFFE003, lr  }
0x1b: {  	s9 =	sadd.s32 $0xFFFFFEF7, lr;
	s5 =	simm.s32 $0xFFFFFFFF;
	p2 =	slt.u32 s8, $0xFFFFF086  }
0x1c: {  	p1 =	slt.u32 s9, $0xF7A;
	s5 =	simm.s32 @!p2 $0x0  }
0x1d: {  	s5 =	simm.s32 @p1 $0x1;
	p0 =	seq.s32 s7, s2  }
0x1e: {  	s7 =	smul.u32 @!p0 $0xF7A, s2;
	p2 =	seq.s32 @!p0 s5, $0x0  }
0x1f: {  	s9 =	smul.u32 $0xF7A, s1;
	s8 =	simm.s32 @!p0 $0x1BF5;
	p2 =	por !p2, p0  }
0x20: {  	[sflag:s8] =	ssyncset.s32 @!p0 $0xFFFFF086;
	s6 =	sadd.s32 @!p0 s3, s7;
	s7 =	simm.s32 @!p0 $0x108  }
0x21: {  	s3 =	sadd.s32 s3, s9;
	s6 =	sadd.s32 @!p0 $0x88, s6;
	s7 =	simm.s32 @p2 $0x1082  }
0x22: {  	[simem:s7], [sflag:s8] =	dma.local @!p0 [hbm:s6], $0xF7A  }
0x23: {  	s9 =	sor.u32 $0xD0000000, s2;
	s6 =	simm.s32 $0x108;
	_ =	swait.ge @!p0 [sflag:s8], $0x0  }
0x24: {  	s3 =	sadd.s32 $0x88, s3;
	s6 =	simm.s32 @!p1 $0x1082;
	[sflag:s4] =	ssyncset.s32 $0xFFFFF086  }
0x25: {  	[simem:s6], [sflag:s4] =	dma.local [hbm:s3], $0xF7A  }
0x26: {  	[smem:$0x3F98] =	sst s1;
	(tag) =	ssettag s2;
	_ =	strace s9  }
0x27: {  	s1 =	sld [smem:$0x3FA8]  }
0x28: {  	s2 =	sld [smem:$0x3FA9]  }
0x29: {  	s4 =	sld [smem:$0x3FAB]  }
0x2a: {  	p0 =	seq.s32 s5, $0x0;
	s5 =	sld [smem:$0x3FAC]  }
0x2b: {  	s6 =	sld [smem:$0x3FAD]  }
0x2c: {  	s7 =	sld [smem:$0x3FAE]  }
0x2d: {  	s3 =	simm.s32 $0x108;
	s8 =	sld [smem:$0x3FAF]  }
0x2e: {  	s3 =	simm.s32 @!p0 $0x1082;
	s9 =	sld [smem:$0x3FB0]  }
0x2f: {  	lr =	sadd.s32 s0, s3;
	s0 =	sld [smem:$0x3FA7]  }
0x30: {  	s3 =	sld [smem:$0x3FAA]  }
0x31: {  	[smem:$0x3FB3] =	sst s10  }
0x32: {  	s10 =	sld [smem:$0x3FB1];
	_ =	sdelay $0x3  }
0x33: {  	p0 =	seq.s32 s10, $0x1;
	s10 =	sld [smem:$0x3FB3];
	_ =	sdelay $0x3  }
0x34: {  	[smem:$0x3FB3] =	sst s10  }
0x35: {  	s10 =	sld [smem:$0x3FB2];
	_ =	sdelay $0x3  }
0x36: {  	p1 =	seq.s32 s10, $0x1;
	s10 =	sld [smem:$0x3FB3];
	_ =	sdelay $0x3  }
0x37: {  	[smem:$0x3FB3] =	sst s10  }
0x38: {  	s10 =	sld [smem:$0x3FB4]  }
0x39: {  	_ = 	snop;
	(pc) =	sbr.ind lr, $3  }
0x3a: {  	_ = 	snop  }
0x3b: {  	_ = 	snop  }
0x3c: {  	p2 =	seq.s32 s10, $0x1;
	s10 =	sld [smem:$0x3FB3]  }
0x3d: {  	_ =	shalt  }
0x3e: {  	_ =	shalt  }
0x3f: {  	_ =	shalt  }
0x40: {  	_ =	shalt  }
0x41: {  	_ =	shalt  }
0x42: {  	_ =	shalt  }
0x43: {  	_ =	shalt  }
0x44: {  	_ =	shalt  }
0x45: {  	_ =	shalt  }
0x46: {  	_ =	shalt  }
0x47: {  	_ =	shalt  }
0x48: {  	_ =	shalt  }
0x49: {  	_ =	shalt  }
0x4a: {  	_ =	shalt  }
0x4b: {  	_ =	shalt  }
0x4c: {  	_ =	shalt  }
0x4d: {  	_ =	shalt  }
0x4e: {  	_ =	shalt  }
0x4f: {  	_ =	shalt  }
0x50: {  	_ =	shalt  }
0x51: {  	_ =	shalt  }
0x52: {  	_ =	shalt  }
0x53: {  	_ =	shalt  }
0x54: {  	_ =	shalt  }
0x55: {  	_ =	shalt  }
0x56: {  	_ =	shalt  }
0x57: {  	_ =	shalt  }
0x58: {  	_ =	shalt  }
0x59: {  	_ =	shalt  }
0x5a: {  	_ =	shalt  }
0x5b: {  	_ =	shalt  }
0x5c: {  	_ =	shalt  }
0x5d: {  	_ =	shalt  }
0x5e: {  	_ =	shalt  }
0x5f: {  	_ =	shalt  }
0x60: {  	_ =	shalt  }
0x61: {  	_ =	shalt  }
0x62: {  	_ =	shalt  }
0x63: {  	_ =	shalt  }
0x64: {  	_ =	shalt  }
0x65: {  	_ =	shalt  }
0x66: {  	_ =	shalt  }
0x67: {  	_ =	shalt  }
0x68: {  	_ =	shalt  }
0x69: {  	_ =	shalt  }
0x6a: {  	_ =	shalt  }
0x6b: {  	_ =	shalt  }
0x6c: {  	_ =	shalt  }
0x6d: {  	_ =	shalt  }
0x6e: {  	_ =	shalt  }
0x6f: {  	_ =	shalt  }
0x70: {  	_ =	shalt  }
0x71: {  	_ =	shalt  }
0x72: {  	_ =	shalt  }
0x73: {  	_ =	shalt  }
0x74: {  	_ =	shalt  }
0x75: {  	_ =	shalt  }
0x76: {  	_ =	shalt  }
0x77: {  	_ =	shalt  }
0x78: {  	_ =	shalt  }
0x79: {  	_ =	shalt  }
0x7a: {  	_ =	shalt  }
0x7b: {  	_ =	shalt  }
0x7c: {  	_ =	shalt  }
0x7d: {  	_ =	shalt  }
0x7e: {  	_ =	shalt  }
0x7f: {  	_ =	shalt  }
0x80: {  	_ =	shalt  }
0x81: {  	_ =	shalt  }
0x82: {  	_ =	shalt  }
0x83: {  	_ =	shalt  }
0x84: {  	_ =	shalt  }
0x85: {  	_ =	shalt  }
0x86: {  	_ =	shalt  }
0x87: {  	_ =	shalt  }
.Lfunc_end0:
.L_simem_size_0:
called_computation_lowered:
.L_overlay_start_0:
0x88: {  	s2 =	sld [smem:$0x3FD9]  }
0x89: {  	s3 =	sld [smem:$0x3FFE];
	_ =	sdelay $0x1  }
0x8a: {  	s1 =	srdreg.scid  }
0x8b: {  	s0 =	sand.u32 $0x1, s1  }
0x8c: {  	s14 =	sshll.u32 s0, $0xA;
	s2 =	sadd.s32 s3, s2  }
0x8d: {  	s2 =	sadd.s32 s2, s14  }
0x8e: {  	[smem:$0x3FBF] =	sst s2  }
0x8f: {  	_ = 	snop  }
0x90: {  	s2 =	sld [smem:$0x3FD0];
	_ =	sdelay $0x2  }
0x91: {  	s15 =	simm.s32 $0xA;
	s4 =	simm.s32 $0x10  }
0x92: {  	[smem:s4], [sflag:s15] =	dma.local [hbm:s2], $0x1  }
0x93: {  	_ =	swait.eq [sflag:s15], $0x1  }
0x94: {  	[sflag:s15] =	ssyncset.done $0x0  }
0x95: {  	[sflag:s15] =	ssyncadd.s32 $0xFFFFFFFF  }
0x96: {  	s16 =	sld [smem:$0x10];
	(tm) =	ssettm $0x1  }
0x97: {  	s17 =	sld [smem:$0x3FFB];
	_ =	sdelay $0x3  }
0x98: {  	_ =	strace s17  }
0x99: {  	s3 =	sld [smem:$0x3FFC];
	_ =	sdelay $0x3  }
0x9a: {  	_ =	strace s3  }
0x9b: {  	s3 =	sld [smem:$0x3FFD];
	_ =	sdelay $0x3  }
0x9c: {  	_ =	strace s3  }
0x9d: {  	_ =	strace $0x8FFFFFFF  }
0x9e: {  	s18 =	sld [smem:$0x3FDB];
	_ =	sdelay $0x1  }
0x9f: {  	s19 =	simm.s32 $_scs_section_size  }
0xa0: {  	s5 =	simm.s32 $_size__tile_overlayer_lowered;
	s6 =	simm.s32 $_tile_overlayer_lowered  }
0xa1: {  	s22 =	simm.s32 $0x1BFF;
	s21 =	sshll.u32 s6, $0x1;
	s3 =	sadd.s32 s19, s18  }
0xa2: {  	s7 =	simm.s32 $0x0;
	s20 =	sshll.u32 s5, $0x1;
	s5 =	sadd.s32 s21, s3  }
0xa3: {  	[timem:s7], [sflag:s22] =	dma.local [hbm:s5], s20  }
0xa4: {  	_ =	swait.ge [sflag:s22], s20  }
0xa5: {  	s4 =	ssub.s32 $0x0, s20;
	[sflag:s22] =	ssyncset.done $0x0  }
0xa6: {  	[sflag:s22] =	ssyncadd.s32 s4;
	_ =	sdelay $0x1  }
0xa7: {  	s23 =	simm.s32 $0x1B8B  }
0xa8: {  	_ =	swait.ge [sflag:s23], $0x1  }
0xa9: {  	[sflag:s23] =	ssyncset.done $0x0  }
0xaa: {  	s25 =	simm.s32 $0x1B8E;
	s24 =	sld [smem:$0x3FFE];
	[sflag:s23] =	ssyncadd.s32 $0xFFFFFFFF  }
0xab: {  	s26 =	simm.s32 $execute0_lowered;
	[smem:$0x3FD2] =	sst s25  }
0xac: {  	s5 =	sshll.u32 s26, $0x1;
	_ =	strace $0x80000046;
	[dreg:$0x1] =	wrdreg $0xFFFFFFFF  }
0xad: {  	s28 =	simm.s32 $_size_execute0_lowered;
	s3 =	sadd.s32 s3, s5;
	[dreg:$0x0] =	wrdreg $0x0  }
0xae: {  	s5 =	sshll.u32 s28, $0x1;
	[dreg:$0x2] =	wrdreg s3  }
0xaf: {  	[dreg:$0x3] =	wrdreg s5  }
0xb0: {  	[dreg:$0x4] =	wrdreg $0xC0  }
0xb1: {  	_ =	task [dreg:s7], $0x5FFFF  }
0xb2: {  	[dreg:$0x1] =	wrdreg $0xFFFFFFFF  }
0xb3: {  	[dreg:$0x0] =	wrdreg $0x60  }
0xb4: {  	[dreg:$0x2] =	wrdreg s24  }
0xb5: {  	[dreg:$0x3] =	wrdreg s16  }
0xb6: {  	[dreg:$0x4] =	wrdreg $0x9  }
0xb7: {  	_ =	task.clear_ibuf [dreg:s7], $0x5FFFF;
	_ =	strace $0x90000046  }
0xb8: {  	s29 =	simm.s32 $0x9;
	_ =	strace $0x80000048  }
0xb9: {  	_ =	swait.ge [sflag:s29], $0x1  }
0xba: {  	[sflag:s29] =	ssyncadd.s32 $0xFFFFFFFF  }
0xbb: {  	_ =	strace $0x90000048  }
0xbc: {  	_ =	sfence  }
0xbd: {  	s30 =	sld [smem:$0x0];
	_ =	sdelay $0x2  }
0xbe: {  	s31 =	sshll.u32 s1, $0xD;
	s1 =	sshrl.u32 s1, $0x2  }
0xbf: {  	s3 =	sand.u32 $0x4000, s31;
	s1 =	sadd.s32 s1, s30  }
0xc0: {  	s0 =	sor.u32 s3, s0;
	s1 =	sshll.u32 s1, $0x11  }
0xc1: {  	s0 =	sor.u32 s1, s0  }
0xc2: {  	s0 =	sadd.s32 $0x8F2B, s0  }
0xc3: {  	[sflag:s0] =	ssyncadd.remote.s32 $0x1  }
0xc4: {  	_ =	sfence.sel $0xFFFF  }
0xc5: {  	[dreg:$0x0] =	wrdreg $0xFFFFFFFF;
	(pc) =	sbr.abs _section_cstart, $3  }
0xc6: {  	[dreg:$0x1] =	wrdreg $0xFFFFFFFF  }
0xc7: {  	_ =	task.clear_ibuf [dreg:s7], $0x2FFFF;
	_ =	strace $0x9FFFFFFF  }
0xc8: {  	(tm) =	ssettm $0x7FFFFFFF  }
0xc9: {  	_ =	shalt  }
tec
execute0_lowered:
.L_overlay_start_1:
0x0: {  	(tag) =	ssettag $0x1  }
0x1: {  	s0 =	rddreg [dreg:$0x0]  }
0x2: {  	s1 =	rddreg [dreg:$0x1];
	s2 =	simm.s32 $0x0;
	s3 =	srdreg.scid  }
0x3: {  	s4 =	stileid.u32;
	s26 =	simm.s32 $0x80;
	s17 =	simm.s32 $0x1  }
0x4: {  	s20 =	simm.s32 $0x1100;
	s21 =	simm.s32 $0x1900;
	s22 =	simm.s32 $0x2100  }
0x5: {  	s23 =	simm.s32 $0x2900;
	s24 =	simm.s32 $0x3100;
	s28 =	simm.s32 $0x4900  }
0x6: {  	s29 =	simm.s32 $0x5100;
	s30 =	simm.s32 $0x5900;
	s31 =	simm.s32 $0x6100  }
0x7: {  	s8 =	simm.s32 $0xB900;
	[smem:$0x7FF] =	sst s2;
	s3 =	sand.u32 $0x1, s3  }
0x8: {  	s4 =	sshll.u32 s4, $0x8;
	_ =	strace $0x80000047;
	s5 =	ssub.s32 $0x2, s3  }
0x9: {  	s6 =	sshll.u32 s3, $0x7;
	s3 =	sadd.s32 $0x1800, s0;
	[dreg:$0x4] =	wrdreg s26  }
0xa: {  	s26 =	simm.s32 $0x4100;
	s7 =	sshrl.u32 s5, $0x1;
	s9 =	sor.u32 s6, s4  }
0xb: {  	v10 =	vlaneseq.u32;
	s4 =	sadd.s32 $0x21800, s0;
	s6 =	sadd.s32 $0x21900, s0;
	s7 =	ssub.s32 s5, s7  }
0xc: {  	vm0 =	vmmov $0xffff;
	v8 =	vand.u32 $0x7, v10;
	v9 =	vshrl.u32 v10, $0x3;
	s10 =	sor.u32 $0x10, s9;
	s11 =	sor.u32 $0x20, s9;
	s12 =	sor.u32 $0x30, s9  }
0xd: {  	v9 =	vmul.u32 $0x8, v9;
	s25 =	sshrl.u32 s9, $0x3;
	s13 =	sor.u32 $0x40, s9;
	s14 =	sor.u32 $0x50, s9;
	v0 =	vor.u32 s9, v10;
	v1 =	vor.u32 s10, v10  }
0xe: {  	s15 =	sor.u32 $0x60, s9;
	s16 =	sor.u32 $0x70, s9;
	s5 =	sadd.s32 $0x1900, s0;
	v2 =	vor.u32 s11, v10;
	v3 =	vor.u32 s12, v10;
	v4 =	vor.u32 s13, v10  }
0xf: {  	s9 =	simm.s32 $0x7900;
	s1 =	sadd.s32 s1, s25;
	s7 =	smax.u32 s7, $0x1;
	v5 =	vor.u32 s14, v10;
	v6 =	vor.u32 s15, v10;
	v7 =	vor.u32 s16, v10  }
0x10: {  	v0 =	vshrl.u32 v0, $0x1;
	v10 =	vor.u32 $0x8, v10;
	s25 =	simm.s32 $0x3900;
	s10 =	simm.s32 $0x8100;
	s11 =	simm.s32 $0x8900;
	v1 =	vshrl.u32 v1, $0x1  }
0x11: {  	s12 =	simm.s32 $0x9100;
	s13 =	simm.s32 $0x9900;
	s14 =	simm.s32 $0xA100;
	v2 =	vshrl.u32 v2, $0x1;
	v3 =	vshrl.u32 v3, $0x1;
	v4 =	vshrl.u32 v4, $0x1  }
0x12: {  	s15 =	simm.s32 $0xA900;
	s16 =	simm.s32 $0xB100;
	[dreg:$0x3] =	wrdreg s1;
	v5 =	vshrl.u32 v5, $0x1;
	v6 =	vshrl.u32 v6, $0x1;
	v7 =	vshrl.u32 v7, $0x1  }
.LBB2_1:
0x13: {  	[tilespmem:$0x0] =	vst v0  }
0x14: {  	[tilespmem:$0x10] =	vst v1  }
0x15: {  	[tilespmem:$0x20] =	vst v2  }
0x16: {  	[tilespmem:$0x30] =	vst v3  }
0x17: {  	[tilespmem:$0x40] =	vst v4  }
0x18: {  	[tilespmem:$0x50] =	vst v5  }
0x19: {  	s18 =	rddreg [dreg:$0x3];
	[tilespmem:$0x60] =	vst v6  }
0x1a: {  	s19 =	rddreg [dreg:$0x4];
	[tilespmem:$0x70] =	vst v7;
	s0 =	simm.s32 $0x2  }
0x1b: {  	[tilespmem:s19], [sflag:$0x2] =	stream.linear.gather [hbm4b:s18+s2], $0x80, $0x38;
	[tilespmem:$0x10100] =	vst v63  }
0x1c: {  	_ =	swait.ge [sflag:s0], $0x80  }
0x1d: {  	[sflag:s0] =	ssyncset.done $0x0  }
0x1e: {  	[sflag:s0] =	ssyncadd.s32 $0xFFFFFF80  }
0x1f: {  	v11 =	vld [tilespmem:$0x0];
	_ =	sdelay $0x4  }
0x20: {  	v12 =	vshll.u32 v11, $0x2  }
0x21: {  	v11 =	vand.u32 $0x7, v11;
	v12 =	vand.u32 $0xFFFFFFE0, v12  }
0x22: {  	v11 =	vor.u32 v11, v12  }
0x23: {  	v12 =	vperm.xlane v11, v8;
	_ =	sdelay $0x1  }
0x24: {  	v12 =	vadd.s32 v9, v12;
	_ =	sdelay $0x1  }
0x25: {  	v11 =	vperm.xlane v11, v10;
	_ =	sdelay $0x1  }
0x26: {  	s18 =	simm.s32 $0x100;
	v11 =	vadd.s32 v9, v11  }
0x27: {  	[tilespmem:s18], [sflag:$0x1] =	stream.indirect_vreg.gather [hbm4b:s3+s2], $0x80, v12, vm0, $0xb8;
	[tilespmem:$0x10100] =	vst v63  }
0x28: {  	s19 =	simm.s32 $0x900  }
0x29: {  	[tilespmem:s19], [sflag:$0x1] =	stream.indirect_vreg.gather [hbm4b:s5+s2], $0x80, v12, vm0, $0xb8;
	[tilespmem:$0x10100] =	vst v63  }
0x2a: {  	_ = 	snop  }
0x2b: {  	[tilespmem:s20], [sflag:$0x1] =	stream.indirect_vreg.gather [hbm4b:s3+s2], $0x80, v11, vm0, $0xb8;
	[tilespmem:$0x10100] =	vst v63  }
0x2c: {  	_ = 	snop  }
0x2d: {  	[tilespmem:s21], [sflag:$0x1] =	stream.indirect_vreg.gather [hbm4b:s5+s2], $0x80, v11, vm0, $0xb8;
	[tilespmem:$0x10100] =	vst v63  }
0x2e: {  	v11 =	vld [tilespmem:$0x10];
	_ =	sdelay $0x4  }
0x2f: {  	v49 =	vshll.u32 v11, $0x2  }
0x30: {  	v11 =	vand.u32 $0x7, v11;
	v12 =	vand.u32 $0xFFFFFFE0, v49  }
0x31: {  	v11 =	vor.u32 v11, v12  }
0x32: {  	v12 =	vperm.xlane v11, v8;
	_ =	sdelay $0x1  }
0x33: {  	v12 =	vadd.s32 v9, v12;
	_ =	sdelay $0x1  }
0x34: {  	v11 =	vperm.xlane v11, v10;
	_ =	sdelay $0x1  }
0x35: {  	v11 =	vadd.s32 v9, v11  }
0x36: {  	[tilespmem:s22], [sflag:$0x1] =	stream.indirect_vreg.gather [hbm4b:s3+s2], $0x80, v12, vm0, $0xb8;
	[tilespmem:$0x10100] =	vst v63  }
0x37: {  	_ = 	snop  }
0x38: {  	[tilespmem:s23], [sflag:$0x1] =	stream.indirect_vreg.gather [hbm4b:s5+s2], $0x80, v12, vm0, $0xb8;
	[tilespmem:$0x10100] =	vst v63  }
0x39: {  	_ = 	snop  }
0x3a: {  	[tilespmem:s24], [sflag:$0x1] =	stream.indirect_vreg.gather [hbm4b:s3+s2], $0x80, v11, vm0, $0xb8;
	[tilespmem:$0x10100] =	vst v63  }
0x3b: {  	_ = 	snop  }
0x3c: {  	[tilespmem:s25], [sflag:$0x1] =	stream.indirect_vreg.gather [hbm4b:s5+s2], $0x80, v11, vm0, $0xb8;
	[tilespmem:$0x10100] =	vst v63  }
0x3d: {  	v11 =	vld [tilespmem:$0x20];
	_ =	sdelay $0x4  }
0x3e: {  	v50 =	vshll.u32 v11, $0x2  }
0x3f: {  	v11 =	vand.u32 $0x7, v11;
	v12 =	vand.u32 $0xFFFFFFE0, v50  }
0x40: {  	v11 =	vor.u32 v11, v12  }
0x41: {  	v12 =	vperm.xlane v11, v8;
	_ =	sdelay $0x1  }
0x42: {  	v12 =	vadd.s32 v9, v12;
	_ =	sdelay $0x1  }
0x43: {  	v11 =	vperm.xlane v11, v10;
	_ =	sdelay $0x1  }
0x44: {  	v11 =	vadd.s32 v9, v11  }
0x45: {  	[tilespmem:s26], [sflag:$0x1] =	stream.indirect_vreg.gather [hbm4b:s3+s2], $0x80, v12, vm0, $0xb8;
	[tilespmem:$0x10100] =	vst v63  }
0x46: {  	_ = 	snop  }
0x47: {  	[tilespmem:s28], [sflag:$0x1] =	stream.indirect_vreg.gather [hbm4b:s5+s2], $0x80, v12, vm0, $0xb8;
	[tilespmem:$0x10100] =	vst v63  }
0x48: {  	_ = 	snop  }
0x49: {  	[tilespmem:s29], [sflag:$0x1] =	stream.indirect_vreg.gather [hbm4b:s3+s2], $0x80, v11, vm0, $0xb8;
	[tilespmem:$0x10100] =	vst v63  }
0x4a: {  	_ = 	snop  }
0x4b: {  	[tilespmem:s30], [sflag:$0x1] =	stream.indirect_vreg.gather [hbm4b:s5+s2], $0x80, v11, vm0, $0xb8;
	[tilespmem:$0x10100] =	vst v63  }
0x4c: {  	v11 =	vld [tilespmem:$0x30];
	_ =	sdelay $0x4  }
0x4d: {  	v51 =	vshll.u32 v11, $0x2  }
0x4e: {  	v11 =	vand.u32 $0x7, v11;
	v12 =	vand.u32 $0xFFFFFFE0, v51  }
0x4f: {  	v11 =	vor.u32 v11, v12  }
0x50: {  	v12 =	vperm.xlane v11, v8;
	_ =	sdelay $0x1  }
0x51: {  	v12 =	vadd.s32 v9, v12;
	_ =	sdelay $0x1  }
0x52: {  	v11 =	vperm.xlane v11, v10;
	_ =	sdelay $0x1  }
0x53: {  	v11 =	vadd.s32 v9, v11  }
0x54: {  	[tilespmem:s31], [sflag:$0x1] =	stream.indirect_vreg.gather [hbm4b:s3+s2], $0x80, v12, vm0, $0xb8;
	[tilespmem:$0x10100] =	vst v63  }
0x55: {  	s1 =	simm.s32 $0x6900  }
0x56: {  	[tilespmem:s1], [sflag:$0x1] =	stream.indirect_vreg.gather [hbm4b:s5+s2], $0x80, v12, vm0, $0xb8;
	[tilespmem:$0x10100] =	vst v63  }
0x57: {  	s1 =	simm.s32 $0x7100  }
0x58: {  	[tilespmem:s1], [sflag:$0x1] =	stream.indirect_vreg.gather [hbm4b:s3+s2], $0x80, v11, vm0, $0xb8;
	[tilespmem:$0x10100] =	vst v63  }
0x59: {  	_ = 	snop  }
0x5a: {  	[tilespmem:s9], [sflag:$0x1] =	stream.indirect_vreg.gather [hbm4b:s5+s2], $0x80, v11, vm0, $0xb8;
	[tilespmem:$0x10100] =	vst v63  }
0x5b: {  	v11 =	vld [tilespmem:$0x40];
	_ =	sdelay $0x4  }
0x5c: {  	v52 =	vshll.u32 v11, $0x2  }
0x5d: {  	v11 =	vand.u32 $0x7, v11;
	v12 =	vand.u32 $0xFFFFFFE0, v52  }
0x5e: {  	v11 =	vor.u32 v11, v12  }
0x5f: {  	v12 =	vperm.xlane v11, v8;
	_ =	sdelay $0x1  }
0x60: {  	v12 =	vadd.s32 v9, v12;
	_ =	sdelay $0x1  }
0x61: {  	v11 =	vperm.xlane v11, v10;
	_ =	sdelay $0x1  }
0x62: {  	v11 =	vadd.s32 v9, v11  }
0x63: {  	[tilespmem:s10], [sflag:$0x1] =	stream.indirect_vreg.gather [hbm4b:s3+s2], $0x80, v12, vm0, $0xb8;
	[tilespmem:$0x10100] =	vst v63  }
0x64: {  	_ = 	snop  }
0x65: {  	[tilespmem:s11], [sflag:$0x1] =	stream.indirect_vreg.gather [hbm4b:s5+s2], $0x80, v12, vm0, $0xb8;
	[tilespmem:$0x10100] =	vst v63  }
0x66: {  	_ = 	snop  }
0x67: {  	[tilespmem:s12], [sflag:$0x1] =	stream.indirect_vreg.gather [hbm4b:s3+s2], $0x80, v11, vm0, $0xb8;
	[tilespmem:$0x10100] =	vst v63  }
0x68: {  	_ = 	snop  }
0x69: {  	[tilespmem:s13], [sflag:$0x1] =	stream.indirect_vreg.gather [hbm4b:s5+s2], $0x80, v11, vm0, $0xb8;
	[tilespmem:$0x10100] =	vst v63  }
0x6a: {  	v11 =	vld [tilespmem:$0x50];
	_ =	sdelay $0x4  }
0x6b: {  	v53 =	vshll.u32 v11, $0x2  }
0x6c: {  	v11 =	vand.u32 $0x7, v11;
	v12 =	vand.u32 $0xFFFFFFE0, v53  }
0x6d: {  	v11 =	vor.u32 v11, v12  }
0x6e: {  	v12 =	vperm.xlane v11, v8;
	_ =	sdelay $0x1  }
0x6f: {  	v12 =	vadd.s32 v9, v12;
	_ =	sdelay $0x1  }
0x70: {  	v11 =	vperm.xlane v11, v10;
	_ =	sdelay $0x1  }
0x71: {  	v11 =	vadd.s32 v9, v11  }
0x72: {  	[tilespmem:s14], [sflag:$0x1] =	stream.indirect_vreg.gather [hbm4b:s3+s2], $0x80, v12, vm0, $0xb8;
	[tilespmem:$0x10100] =	vst v63  }
0x73: {  	_ = 	snop  }
0x74: {  	[tilespmem:s15], [sflag:$0x1] =	stream.indirect_vreg.gather [hbm4b:s5+s2], $0x80, v12, vm0, $0xb8;
	[tilespmem:$0x10100] =	vst v63  }
0x75: {  	_ = 	snop  }
0x76: {  	[tilespmem:s16], [sflag:$0x1] =	stream.indirect_vreg.gather [hbm4b:s3+s2], $0x80, v11, vm0, $0xb8;
	[tilespmem:$0x10100] =	vst v63  }
0x77: {  	_ = 	snop  }
0x78: {  	[tilespmem:s8], [sflag:$0x1] =	stream.indirect_vreg.gather [hbm4b:s5+s2], $0x80, v11, vm0, $0xb8;
	[tilespmem:$0x10100] =	vst v63  }
0x79: {  	v11 =	vld [tilespmem:$0x60];
	_ =	sdelay $0x4  }
0x7a: {  	v54 =	vshll.u32 v11, $0x2  }
0x7b: {  	v11 =	vand.u32 $0x7, v11;
	v12 =	vand.u32 $0xFFFFFFE0, v54  }
0x7c: {  	v11 =	vor.u32 v11, v12  }
0x7d: {  	v12 =	vperm.xlane v11, v8;
	_ =	sdelay $0x1  }
0x7e: {  	v12 =	vadd.s32 v9, v12;
	_ =	sdelay $0x1  }
0x7f: {  	v11 =	vperm.xlane v11, v10;
	_ =	sdelay $0x1  }
0x80: {  	s0 =	simm.s32 $0xC100;
	v11 =	vadd.s32 v9, v11  }
0x81: {  	[tilespmem:s0], [sflag:$0x1] =	stream.indirect_vreg.gather [hbm4b:s3+s2], $0x80, v12, vm0, $0xb8;
	[tilespmem:$0x10100] =	vst v63  }
0x82: {  	s0 =	simm.s32 $0xC900  }
0x83: {  	[tilespmem:s0], [sflag:$0x1] =	stream.indirect_vreg.gather [hbm4b:s5+s2], $0x80, v12, vm0, $0xb8;
	[tilespmem:$0x10100] =	vst v63  }
0x84: {  	s0 =	simm.s32 $0xD100  }
0x85: {  	[tilespmem:s0], [sflag:$0x1] =	stream.indirect_vreg.gather [hbm4b:s3+s2], $0x80, v11, vm0, $0xb8;
	[tilespmem:$0x10100] =	vst v63  }
0x86: {  	s0 =	simm.s32 $0xD900  }
0x87: {  	[tilespmem:s0], [sflag:$0x1] =	stream.indirect_vreg.gather [hbm4b:s5+s2], $0x80, v11, vm0, $0xb8;
	[tilespmem:$0x10100] =	vst v63  }
0x88: {  	v11 =	vld [tilespmem:$0x70];
	_ =	sdelay $0x4  }
0x89: {  	v55 =	vshll.u32 v11, $0x2  }
0x8a: {  	v11 =	vand.u32 $0x7, v11;
	v12 =	vand.u32 $0xFFFFFFE0, v55  }
0x8b: {  	v11 =	vor.u32 v11, v12  }
0x8c: {  	v12 =	vperm.xlane v11, v8;
	_ =	sdelay $0x1  }
0x8d: {  	v12 =	vadd.s32 v9, v12;
	_ =	sdelay $0x1  }
0x8e: {  	v11 =	vperm.xlane v11, v10;
	_ =	sdelay $0x1  }
0x8f: {  	s0 =	simm.s32 $0xE100;
	v11 =	vadd.s32 v9, v11  }
0x90: {  	[tilespmem:s0], [sflag:$0x1] =	stream.indirect_vreg.gather [hbm4b:s3+s2], $0x80, v12, vm0, $0xb8;
	[tilespmem:$0x10100] =	vst v63  }
0x91: {  	s0 =	simm.s32 $0xE900  }
0x92: {  	[tilespmem:s0], [sflag:$0x1] =	stream.indirect_vreg.gather [hbm4b:s5+s2], $0x80, v12, vm0, $0xb8;
	[tilespmem:$0x10100] =	vst v63  }
0x93: {  	s0 =	simm.s32 $0xF100  }
0x94: {  	[tilespmem:s0], [sflag:$0x1] =	stream.indirect_vreg.gather [hbm4b:s3+s2], $0x80, v11, vm0, $0xb8;
	[tilespmem:$0x10100] =	vst v63  }
0x95: {  	s0 =	simm.s32 $0xF900  }
0x96: {  	[tilespmem:s0], [sflag:$0x1] =	stream.indirect_vreg.gather [hbm4b:s5+s2], $0x80, v11, vm0, $0xb8;
	[tilespmem:$0x10100] =	vst v63  }
0x97: {  	_ =	swait.ge [sflag:s17], $0x10000  }
0x98: {  	[sflag:s17] =	ssyncset.done $0x0  }
0x99: {  	[sflag:s17] =	ssyncadd.s32 $0xFFFF0000  }
0x9a: {  	v11 =	vld [tilespmem:$0x80];
	_ =	sdelay $0x4  }
0x9b: {  	v56 =	vshll.u32 v11, $0x2  }
0x9c: {  	v11 =	vand.u32 $0x7, v11;
	v12 =	vand.u32 $0xFFFFFFE0, v56  }
0x9d: {  	v11 =	vor.u32 v11, v12  }
0x9e: {  	v12 =	vperm.xlane v11, v8;
	_ =	sdelay $0x1  }
0x9f: {  	v12 =	vadd.s32 v9, v12;
	_ =	sdelay $0x1  }
0xa0: {  	v11 =	vperm.xlane v11, v10;
	_ =	sdelay $0x1  }
0xa1: {  	v11 =	vadd.s32 v9, v11  }
0xa2: {  	[hbm4b:s4+s2] =	stream.indirect_vreg.scatter [tilespmem:s18], [sflag:$0x1], $0x80, v12, vm0, $0xb8;
	[tilespmem:$0x10100] =	vst v63  }
0xa3: {  	_ = 	snop  }
0xa4: {  	[hbm4b:s6+s2] =	stream.indirect_vreg.scatter [tilespmem:s19], [sflag:$0x1], $0x80, v12, vm0, $0xb8;
	[tilespmem:$0x10100] =	vst v63  }
0xa5: {  	_ = 	snop  }
0xa6: {  	[hbm4b:s4+s2] =	stream.indirect_vreg.scatter [tilespmem:s20], [sflag:$0x1], $0x80, v11, vm0, $0xb8;
	[tilespmem:$0x10100] =	vst v63  }
0xa7: {  	_ = 	snop  }
0xa8: {  	[hbm4b:s6+s2] =	stream.indirect_vreg.scatter [tilespmem:s21], [sflag:$0x1], $0x80, v11, vm0, $0xb8;
	[tilespmem:$0x10100] =	vst v63  }
0xa9: {  	v11 =	vld [tilespmem:$0x90];
	_ =	sdelay $0x4  }
0xaa: {  	v57 =	vshll.u32 v11, $0x2  }
0xab: {  	v11 =	vand.u32 $0x7, v11;
	v12 =	vand.u32 $0xFFFFFFE0, v57  }
0xac: {  	v11 =	vor.u32 v11, v12  }
0xad: {  	v12 =	vperm.xlane v11, v8;
	_ =	sdelay $0x1  }
0xae: {  	v12 =	vadd.s32 v9, v12;
	_ =	sdelay $0x1  }
0xaf: {  	v11 =	vperm.xlane v11, v10;
	_ =	sdelay $0x1  }
0xb0: {  	v11 =	vadd.s32 v9, v11  }
0xb1: {  	[hbm4b:s4+s2] =	stream.indirect_vreg.scatter [tilespmem:s22], [sflag:$0x1], $0x80, v12, vm0, $0xb8;
	[tilespmem:$0x10100] =	vst v63  }
0xb2: {  	_ = 	snop  }
0xb3: {  	[hbm4b:s6+s2] =	stream.indirect_vreg.scatter [tilespmem:s23], [sflag:$0x1], $0x80, v12, vm0, $0xb8;
	[tilespmem:$0x10100] =	vst v63  }
0xb4: {  	_ = 	snop  }
0xb5: {  	[hbm4b:s4+s2] =	stream.indirect_vreg.scatter [tilespmem:s24], [sflag:$0x1], $0x80, v11, vm0, $0xb8;
	[tilespmem:$0x10100] =	vst v63  }
0xb6: {  	_ = 	snop  }
0xb7: {  	[hbm4b:s6+s2] =	stream.indirect_vreg.scatter [tilespmem:s25], [sflag:$0x1], $0x80, v11, vm0, $0xb8;
	[tilespmem:$0x10100] =	vst v63  }
0xb8: {  	v11 =	vld [tilespmem:$0xA0];
	_ =	sdelay $0x4  }
0xb9: {  	v58 =	vshll.u32 v11, $0x2  }
0xba: {  	v11 =	vand.u32 $0x7, v11;
	v12 =	vand.u32 $0xFFFFFFE0, v58  }
0xbb: {  	v11 =	vor.u32 v11, v12  }
0xbc: {  	v12 =	vperm.xlane v11, v8;
	_ =	sdelay $0x1  }
0xbd: {  	v12 =	vadd.s32 v9, v12;
	_ =	sdelay $0x1  }
0xbe: {  	v11 =	vperm.xlane v11, v10;
	_ =	sdelay $0x1  }
0xbf: {  	v11 =	vadd.s32 v9, v11  }
0xc0: {  	[hbm4b:s4+s2] =	stream.indirect_vreg.scatter [tilespmem:s26], [sflag:$0x1], $0x80, v12, vm0, $0xb8;
	[tilespmem:$0x10100] =	vst v63  }
0xc1: {  	_ = 	snop  }
0xc2: {  	[hbm4b:s6+s2] =	stream.indirect_vreg.scatter [tilespmem:s28], [sflag:$0x1], $0x80, v12, vm0, $0xb8;
	[tilespmem:$0x10100] =	vst v63  }
0xc3: {  	_ = 	snop  }
0xc4: {  	[hbm4b:s4+s2] =	stream.indirect_vreg.scatter [tilespmem:s29], [sflag:$0x1], $0x80, v11, vm0, $0xb8;
	[tilespmem:$0x10100] =	vst v63  }
0xc5: {  	_ = 	snop  }
0xc6: {  	[hbm4b:s6+s2] =	stream.indirect_vreg.scatter [tilespmem:s30], [sflag:$0x1], $0x80, v11, vm0, $0xb8;
	[tilespmem:$0x10100] =	vst v63  }
0xc7: {  	v11 =	vld [tilespmem:$0xB0];
	_ =	sdelay $0x4  }
0xc8: {  	v59 =	vshll.u32 v11, $0x2  }
0xc9: {  	v11 =	vand.u32 $0x7, v11;
	v12 =	vand.u32 $0xFFFFFFE0, v59  }
0xca: {  	v11 =	vor.u32 v11, v12  }
0xcb: {  	v12 =	vperm.xlane v11, v8;
	_ =	sdelay $0x1  }
0xcc: {  	v12 =	vadd.s32 v9, v12;
	_ =	sdelay $0x1  }
0xcd: {  	v11 =	vperm.xlane v11, v10;
	_ =	sdelay $0x1  }
0xce: {  	v11 =	vadd.s32 v9, v11  }
0xcf: {  	[hbm4b:s4+s2] =	stream.indirect_vreg.scatter [tilespmem:s31], [sflag:$0x1], $0x80, v12, vm0, $0xb8;
	[tilespmem:$0x10100] =	vst v63  }
0xd0: {  	s19 =	simm.s32 $0x6900  }
0xd1: {  	[hbm4b:s6+s2] =	stream.indirect_vreg.scatter [tilespmem:s19], [sflag:$0x1], $0x80, v12, vm0, $0xb8;
	[tilespmem:$0x10100] =	vst v63  }
0xd2: {  	_ = 	snop  }
0xd3: {  	[hbm4b:s4+s2] =	stream.indirect_vreg.scatter [tilespmem:s1], [sflag:$0x1], $0x80, v11, vm0, $0xb8;
	[tilespmem:$0x10100] =	vst v63  }
0xd4: {  	_ = 	snop  }
0xd5: {  	[hbm4b:s6+s2] =	stream.indirect_vreg.scatter [tilespmem:s9], [sflag:$0x1], $0x80, v11, vm0, $0xb8;
	[tilespmem:$0x10100] =	vst v63  }
0xd6: {  	v11 =	vld [tilespmem:$0xC0];
	_ =	sdelay $0x4  }
0xd7: {  	v60 =	vshll.u32 v11, $0x2  }
0xd8: {  	v11 =	vand.u32 $0x7, v11;
	v12 =	vand.u32 $0xFFFFFFE0, v60  }
0xd9: {  	v11 =	vor.u32 v11, v12  }
0xda: {  	v12 =	vperm.xlane v11, v8;
	_ =	sdelay $0x1  }
0xdb: {  	v12 =	vadd.s32 v9, v12;
	_ =	sdelay $0x1  }
0xdc: {  	v11 =	vperm.xlane v11, v10;
	_ =	sdelay $0x1  }
0xdd: {  	v11 =	vadd.s32 v9, v11  }
0xde: {  	[hbm4b:s4+s2] =	stream.indirect_vreg.scatter [tilespmem:s10], [sflag:$0x1], $0x80, v12, vm0, $0xb8;
	[tilespmem:$0x10100] =	vst v63  }
0xdf: {  	_ = 	snop  }
0xe0: {  	[hbm4b:s6+s2] =	stream.indirect_vreg.scatter [tilespmem:s11], [sflag:$0x1], $0x80, v12, vm0, $0xb8;
	[tilespmem:$0x10100] =	vst v63  }
0xe1: {  	_ = 	snop  }
0xe2: {  	[hbm4b:s4+s2] =	stream.indirect_vreg.scatter [tilespmem:s12], [sflag:$0x1], $0x80, v11, vm0, $0xb8;
	[tilespmem:$0x10100] =	vst v63  }
0xe3: {  	_ = 	snop  }
0xe4: {  	[hbm4b:s6+s2] =	stream.indirect_vreg.scatter [tilespmem:s13], [sflag:$0x1], $0x80, v11, vm0, $0xb8;
	[tilespmem:$0x10100] =	vst v63  }
0xe5: {  	v11 =	vld [tilespmem:$0xD0];
	_ =	sdelay $0x4  }
0xe6: {  	v61 =	vshll.u32 v11, $0x2  }
0xe7: {  	v11 =	vand.u32 $0x7, v11;
	v12 =	vand.u32 $0xFFFFFFE0, v61  }
0xe8: {  	v11 =	vor.u32 v11, v12  }
0xe9: {  	v12 =	vperm.xlane v11, v8;
	_ =	sdelay $0x1  }
0xea: {  	v12 =	vadd.s32 v9, v12;
	_ =	sdelay $0x1  }
0xeb: {  	v11 =	vperm.xlane v11, v10;
	_ =	sdelay $0x1  }
0xec: {  	v11 =	vadd.s32 v9, v11  }
0xed: {  	[hbm4b:s4+s2] =	stream.indirect_vreg.scatter [tilespmem:s14], [sflag:$0x1], $0x80, v12, vm0, $0xb8;
	[tilespmem:$0x10100] =	vst v63  }
0xee: {  	_ = 	snop  }
0xef: {  	[hbm4b:s6+s2] =	stream.indirect_vreg.scatter [tilespmem:s15], [sflag:$0x1], $0x80, v12, vm0, $0xb8;
	[tilespmem:$0x10100] =	vst v63  }
0xf0: {  	_ = 	snop  }
0xf1: {  	[hbm4b:s4+s2] =	stream.indirect_vreg.scatter [tilespmem:s16], [sflag:$0x1], $0x80, v11, vm0, $0xb8;
	[tilespmem:$0x10100] =	vst v63  }
0xf2: {  	_ = 	snop  }
0xf3: {  	[hbm4b:s6+s2] =	stream.indirect_vreg.scatter [tilespmem:s8], [sflag:$0x1], $0x80, v11, vm0, $0xb8;
	[tilespmem:$0x10100] =	vst v63  }
0xf4: {  	v11 =	vld [tilespmem:$0xE0];
	_ =	sdelay $0x4  }
0xf5: {  	v62 =	vshll.u32 v11, $0x2  }
0xf6: {  	v11 =	vand.u32 $0x7, v11;
	v12 =	vand.u32 $0xFFFFFFE0, v62  }
0xf7: {  	v11 =	vor.u32 v11, v12  }
0xf8: {  	v12 =	vperm.xlane v11, v8;
	_ =	sdelay $0x1  }
0xf9: {  	v12 =	vadd.s32 v9, v12;
	_ =	sdelay $0x1  }
0xfa: {  	v11 =	vperm.xlane v11, v10;
	_ =	sdelay $0x1  }
0xfb: {  	s19 =	simm.s32 $0xC100;
	v11 =	vadd.s32 v9, v11  }
0xfc: {  	[hbm4b:s4+s2] =	stream.indirect_vreg.scatter [tilespmem:s19], [sflag:$0x1], $0x80, v12, vm0, $0xb8;
	[tilespmem:$0x10100] =	vst v63  }
0xfd: {  	s18 =	simm.s32 $0xC900  }
0xfe: {  	[hbm4b:s6+s2] =	stream.indirect_vreg.scatter [tilespmem:s18], [sflag:$0x1], $0x80, v12, vm0, $0xb8;
	[tilespmem:$0x10100] =	vst v63  }
0xff: {  	s19 =	simm.s32 $0xD100  }
0x100: {  	[hbm4b:s4+s2] =	stream.indirect_vreg.scatter [tilespmem:s19], [sflag:$0x1], $0x80, v11, vm0, $0xb8;
	[tilespmem:$0x10100] =	vst v63  }
0x101: {  	s18 =	simm.s32 $0xD900  }
0x102: {  	[hbm4b:s6+s2] =	stream.indirect_vreg.scatter [tilespmem:s18], [sflag:$0x1], $0x80, v11, vm0, $0xb8;
	[tilespmem:$0x10100] =	vst v63  }
0x103: {  	v11 =	vld [tilespmem:$0xF0];
	_ =	sdelay $0x4  }
0x104: {  	v63 =	vshll.u32 v11, $0x2  }
0x105: {  	v11 =	vand.u32 $0x7, v11;
	v12 =	vand.u32 $0xFFFFFFE0, v63  }
0x106: {  	v11 =	vor.u32 v11, v12  }
0x107: {  	v12 =	vperm.xlane v11, v8;
	_ =	sdelay $0x1  }
0x108: {  	v12 =	vadd.s32 v9, v12;
	_ =	sdelay $0x1  }
0x109: {  	v11 =	vperm.xlane v11, v10;
	_ =	sdelay $0x1  }
0x10a: {  	s19 =	simm.s32 $0xE100;
	v11 =	vadd.s32 v9, v11  }
0x10b: {  	[hbm4b:s4+s2] =	stream.indirect_vreg.scatter [tilespmem:s19], [sflag:$0x1], $0x80, v12, vm0, $0xb8;
	[tilespmem:$0x10100] =	vst v63  }
0x10c: {  	s18 =	simm.s32 $0xE900  }
0x10d: {  	[hbm4b:s6+s2] =	stream.indirect_vreg.scatter [tilespmem:s18], [sflag:$0x1], $0x80, v12, vm0, $0xb8;
	[tilespmem:$0x10100] =	vst v63  }
0x10e: {  	p0 =	sne.s32 s7, $0x1;
	s19 =	simm.s32 $0xF100  }
0x10f: {  	[hbm4b:s4+s2] =	stream.indirect_vreg.scatter [tilespmem:s19], [sflag:$0x1], $0x80, v11, vm0, $0xb8;
	[tilespmem:$0x10100] =	vst v63  }
.Ltmp0:
0x110: {  	_ = 	snop;
	(pc) =	sbr.rel @p0 .LBB2_1-.Ltmp0, $4  }
0x111: {  	[hbm4b:s6+s2] =	stream.indirect_vreg.scatter [tilespmem:s0], [sflag:$0x1], $0x80, v11, vm0, $0xb8;
	[tilespmem:$0x10100] =	vst v63  }
0x112: {  	_ =	swait.ge [sflag:s17], $0x10000  }
0x113: {  	[sflag:s17] =	ssyncset.done $0x0  }
0x114: {  	s7 =	sadd.s32 $0xFFFFFFFF, s7;
	[sflag:s17] =	ssyncadd.s32 $0xFFFF0000  }
0x115: {  	_ =	sfence.sel $0x180000  }
0x116: {  	[bflag:$0x0] =	sbarrier.arrive $0xFFFF  }
0x117: {  	_ =	strace $0x90000047  }
0x118: {  	s0 =	stileid.u32;
	[bflag:$0x2] =	sbarrier.arrive $0xFFFF  }
0x119: {  	p0 =	sne.s32 s0, $0x0;
	s0 =	rddreg [dreg:$0x2]  }
0x11a: {  	s0 =	sadd.s32 @!p0 $0x100000, s0  }
0x11b: {  	[sflag:s0] =	ssyncadd.tile.s32 @!p0 $0x1;
	_ =	shalt  }
.Lfunc_end2:
_tile_overlayer_lowered:
.L_overlay_start_2:
0x11c: {  	(tag) =	ssettag $0x2  }
0x11d: {  	s0 =	rddreg [dreg:$0x0];
	s2 =	stileid.u32  }
0x11e: {  	s1 =	rddreg [dreg:$0x1];
	p0 =	sne.s32 s2, $0x0  }
0x11f: {  	s3 =	rddreg [dreg:$0x2];
	[bflag:$0x3] =	sbarrier.arrive $0xFFFF;
	s2 =	simm.s32 @!p0 $0x1C02  }
0x120: {  	[timem:s3], [sflag:s2] =	dma.local @!p0 [hbm:s0], s1  }
0x121: {  	s0 =	simm.s32 @!p0 $0x2  }
0x122: {  	_ =	swait.ge @!p0 [sflag:s0], s1  }
0x123: {  	s1 =	ssub.s32 @!p0 $0x0, s1;
	[sflag:s0] =	ssyncset.done @!p0 $0x0  }
0x124: {  	[sflag:s0] =	ssyncadd.s32 @!p0 s1  }
0x125: {  	[bflag:$0x3] =	sbarrier.arrive $0xFFFF  }
0x126: {  	_ =	shalt  }

</sc_bundles>
